<compile_context>
chip_gen: v7x
topology: tpu7x:2x2x1
jax: 0.10.2.dev20260603
libtpu: 0.0.44.dev20260713+nightly
codegen_flags: <defaults>
</compile_context>

<pallas_src>
import functools

import jax
import jax.numpy as jnp
from jax import lax
from jax.experimental import pallas as pl
from jax.experimental.pallas import tpu as pltpu
from jax.experimental.pallas import tpu_sc as plsc

NC = 2
NS = 16
NW = NC * NS
L = 16

_SCH = 80
BE = 8000


def _sc_dist2(cart_x, cart_y, cart_z, abc_x, abc_y, abc_z,
              senders, receivers, tjx, tjy, tjz, egi,
              e_base, es):
    N = cart_x.shape[0]
    G = abc_x.shape[0]
    epw = es // NW

    out_type = [jax.ShapeDtypeStruct((es,), jnp.float32)]
    scratch = [
        [pltpu.VMEM((N,), jnp.float32) for _ in range(3)],
        [pltpu.VMEM((G,), jnp.float32) for _ in range(3)],
        pltpu.VMEM((epw,), jnp.int32),
        pltpu.VMEM((epw,), jnp.int32),
        pltpu.VMEM((epw,), jnp.int32),
        [pltpu.VMEM((epw,), jnp.float32) for _ in range(3)],
        pltpu.VMEM((epw,), jnp.float32),
        pltpu.SemaphoreType.DMA,
        pltpu.SemaphoreType.DMA,
    ]
    mesh = plsc.VectorSubcoreMesh(core_axis_name="c", subcore_axis_name="s",
                                  num_cores=NC, num_subcores=NS)

    @functools.partial(
        pl.kernel,
        out_type=tuple(out_type),
        mesh=mesh,
        compiler_params=pltpu.CompilerParams(needs_layout_passes=False),
        scratch_types=tuple(scratch),
    )
    def body(cx_h, cy_h, cz_h, ax_h, ay_h, az_h,
             senders_h, receivers_h, tjx_h, tjy_h, tjz_h, egi_h,
             *rest):
        (dist2_h,
         cart_v, abc_v, s_v, r_v, g_v, tj_v, d2_v, in_sem,
         out_sem) = rest
        wid = lax.axis_index("s") * NC + lax.axis_index("c")
        off = e_base + wid * epw

        copies = [
            pltpu.make_async_copy(senders_h.at[pl.ds(off, epw)], s_v,
                                  in_sem),
            pltpu.make_async_copy(receivers_h.at[pl.ds(off, epw)], r_v,
                                  in_sem),
            pltpu.make_async_copy(egi_h.at[pl.ds(off, epw)], g_v, in_sem),
            pltpu.make_async_copy(tjx_h.at[pl.ds(off, epw)], tj_v[0],
                                  in_sem),
            pltpu.make_async_copy(tjy_h.at[pl.ds(off, epw)], tj_v[1],
                                  in_sem),
            pltpu.make_async_copy(tjz_h.at[pl.ds(off, epw)], tj_v[2],
                                  in_sem),
        ]
        copies += [
            pltpu.make_async_copy(cx_h, cart_v[0], in_sem),
            pltpu.make_async_copy(cy_h, cart_v[1], in_sem),
            pltpu.make_async_copy(cz_h, cart_v[2], in_sem),
            pltpu.make_async_copy(ax_h, abc_v[0], in_sem),
            pltpu.make_async_copy(ay_h, abc_v[1], in_sem),
            pltpu.make_async_copy(az_h, abc_v[2], in_sem),
        ]
        for c in copies:
            c.start()
        for c in copies:
            c.wait()

        @plsc.parallel_loop(0, epw // L, unroll=4)
        def _(j):
            sl = pl.ds(j * L, L)
            si = s_v[sl]
            ri = r_v[sl]
            gi = g_v[sl]
            sx = plsc.load_gather(cart_v[0], [si])
            sy = plsc.load_gather(cart_v[1], [si])
            sz = plsc.load_gather(cart_v[2], [si])
            rx = plsc.load_gather(cart_v[0], [ri])
            ry = plsc.load_gather(cart_v[1], [ri])
            rz = plsc.load_gather(cart_v[2], [ri])
            gx = plsc.load_gather(abc_v[0], [gi])
            gy = plsc.load_gather(abc_v[1], [gi])
            gz = plsc.load_gather(abc_v[2], [gi])
            ex = sx + rx + gx * tj_v[0][sl]
            ey = sy + ry + gy * tj_v[1][sl]
            ez = sz + rz + gz * tj_v[2][sl]
            d2_v[sl] = ex * ex + ey * ey + ez * ez + 1e-12

        o = pltpu.make_async_copy(
            d2_v, dist2_h.at[pl.ds(wid * epw, epw)], out_sem)
        o.start()
        o.wait()

    return body(cart_x, cart_y, cart_z, abc_x, abc_y, abc_z,
                senders, receivers, tjx, tjy, tjz, egi)


def _sc_species(species, species_table):
    D = species_table.shape[1]
    N = species.shape[0]
    NPW = -(-N // (NW * _SCH)) * _SCH
    NSCH = NPW // _SCH

    mesh = plsc.VectorSubcoreMesh(core_axis_name="c", subcore_axis_name="s",
                                  num_cores=NC, num_subcores=NS)

    @functools.partial(
        pl.kernel,
        out_type=jax.ShapeDtypeStruct((N, D), jnp.float32),
        mesh=mesh,
        compiler_params=pltpu.CompilerParams(needs_layout_passes=False),
        scratch_types=(
            [pltpu.VMEM((_SCH,), jnp.int32) for _ in range(NSCH)],
            [pltpu.VMEM((_SCH, D), jnp.float32) for _ in range(NSCH)],
            pltpu.SemaphoreType.DMA,
        ),
    )
    def body(species_h, table_h, node_emb_h, si_v, rows_v, gat_sem):
        wid = lax.axis_index("s") * NC + lax.axis_index("c")
        nbase = wid * NPW
        for ch in range(NSCH):
            off = nbase + ch * _SCH

            @pl.when(off < N)
            def _():
                pltpu.sync_copy(species_h.at[pl.ds(off, _SCH)], si_v[ch])
                pltpu.async_copy(table_h.at[si_v[ch]], rows_v[ch],
                                 gat_sem).wait()
                pltpu.sync_copy(rows_v[ch],
                                node_emb_h.at[pl.ds(off, _SCH)])

    return body(species, species_table)


def _tc_edge_emb_slice(d2_slice, c_bcast, inv_bcast, dist_proj,
                       prev, blk_base, E):
    NRBF, D = dist_proj.shape
    es = d2_slice.shape[0]
    nb = es // BE
    d2r = d2_slice.reshape(nb, 1, BE)

    def body(*refs):
        d2_ref, c_ref, w_ref, p_ref = refs[-5:-1]
        o_ref = refs[-1]
        dist = jnp.sqrt(d2_ref[0])
        delta = dist - c_ref[...]
        r = jnp.exp(delta * delta * w_ref[...])
        o_ref[...] = jax.lax.dot_general(
            r, p_ref[...], (((0,), (0,)), ((), ())),
            preferred_element_type=jnp.float32)

    in_specs = [
        pl.BlockSpec((1, 1, BE), lambda i: (i, 0, 0)),
        pl.BlockSpec((NRBF, BE), lambda i: (0, 0)),
        pl.BlockSpec((NRBF, BE), lambda i: (0, 0)),
        pl.BlockSpec((NRBF, D), lambda i: (0, 0)),
    ]
    args = [d2r, c_bcast, inv_bcast, dist_proj]
    aliases = {}
    if prev is not None:
        in_specs = [pl.BlockSpec(memory_space=pl.ANY)] + in_specs
        args = [prev] + args
        aliases = {0: 0}

    return pl.pallas_call(
        body,
        grid=(nb,),
        in_specs=in_specs,
        out_specs=pl.BlockSpec((BE, D), lambda i: (i + blk_base, 0)),
        out_shape=jax.ShapeDtypeStruct((E, D), jnp.float32),
        input_output_aliases=aliases,
        compiler_params=pltpu.CompilerParams(
            dimension_semantics=("arbitrary",)),
    )(*args)


def kernel(cart, senders, receivers, to_jimage, abc, species,
           node_graph_i, edge_graph_i, n_node, n_edge,
           species_table, rbf_centers, rbf_widths, dist_proj):
    N = cart.shape[0]
    E = senders.shape[0]
    G = abc.shape[0]
    NRBF = rbf_centers.shape[0]

    cx, cy, cz = cart[:, 0], cart[:, 1], cart[:, 2]
    ax, ay, az = abc[:, 0], abc[:, 1], abc[:, 2]
    tjx, tjy, tjz = to_jimage[:, 0], to_jimage[:, 1], to_jimage[:, 2]

    neg_inv = -1.0 / (2.0 * rbf_widths * rbf_widths)
    c_bcast = jnp.broadcast_to(rbf_centers[:, None], (NRBF, BE))
    inv_bcast = jnp.broadcast_to(neg_inv[:, None], (NRBF, BE))

    unit = E // 5
    sizes = [2 * unit, 3 * unit]
    sc_args = (cx, cy, cz, ax, ay, az, senders, receivers, tjx, tjy, tjz,
               edge_graph_i)

    d2_slices = []
    bases = []
    base = 0
    for es in sizes:
        (d2,) = _sc_dist2(*sc_args, e_base=base, es=es)
        d2_slices.append(d2)
        bases.append(base)
        base += es

    node_emb = _sc_species(species, species_table)

    edge_emb = None
    for d2, b in zip(d2_slices, bases):
        edge_emb = _tc_edge_emb_slice(
            d2, c_bcast, inv_bcast, dist_proj, edge_emb, b // BE, E)

    graph_emb = jnp.zeros((G, 0), dtype=jnp.float32)
    return (node_emb, senders, receivers, edge_emb, graph_emb,
            n_node, n_edge, node_graph_i, edge_graph_i)

# --- scband reference (transcript-rebuilt; emitter-appended) ---
"""Pipeline reference for scband-input-encoder-13245679141022 (READ-ONLY COPY).

The authoritative reference and input builder live on the scoring server;
editing this copy changes nothing except your own understanding.
"""

import jax, jax.numpy as jnp
import numpy as np

N = 10000
E = 320000
G = 32
D = 128
NRBF = 64
NSPECIES = 100
CUTOFF = 8.0


def setup_inputs(seed: int = 0) -> dict:
    key = jax.random.key(seed)
    ks = jax.random.split(key, 12)
    cart = jax.random.normal(ks[0], (N, 3), dtype=jnp.float32) * 5.0
    senders = jax.random.randint(ks[1], (E,), 0, N, dtype=jnp.int32)
    receivers = jax.random.randint(ks[2], (E,), 0, N, dtype=jnp.int32)
    to_jimage = jax.random.normal(ks[3], (E, 3), dtype=jnp.float32)
    abc = jax.random.uniform(ks[4], (G, 3), dtype=jnp.float32, minval=3.0, maxval=10.0)
    species = jax.random.randint(ks[5], (N,), 0, NSPECIES, dtype=jnp.int32)
    node_graph_i = jnp.sort(jax.random.randint(ks[6], (N,), 0, G, dtype=jnp.int32))
    edge_graph_i = jnp.sort(jax.random.randint(ks[7], (E,), 0, G, dtype=jnp.int32))
    n_node = jnp.bincount(node_graph_i, length=G).astype(jnp.int32)
    n_edge = jnp.bincount(edge_graph_i, length=G).astype(jnp.int32)
    # learned parameters
    species_table = jax.random.normal(ks[8], (NSPECIES, D), dtype=jnp.float32) * 0.02
    rbf_centers = jnp.linspace(0.0, CUTOFF, NRBF, dtype=jnp.float32)
    rbf_widths = jnp.full((NRBF,), 0.5, dtype=jnp.float32)
    dist_proj = jax.random.normal(ks[9], (NRBF, D), dtype=jnp.float32) * (1.0 / np.sqrt(NRBF))
    return {
        'cart': cart, 'senders': senders, 'receivers': receivers,
        'to_jimage': to_jimage, 'abc': abc, 'species': species,
        'node_graph_i': node_graph_i, 'edge_graph_i': edge_graph_i,
        'n_node': n_node, 'n_edge': n_edge,
        'species_table': species_table, 'rbf_centers': rbf_centers,
        'rbf_widths': rbf_widths, 'dist_proj': dist_proj,
    }


def reference(cart, senders, receivers, to_jimage, abc, species,
              node_graph_i, edge_graph_i, n_node, n_edge,
              species_table, rbf_centers, rbf_widths, dist_proj):
    # send_pos = cg.nodes.cart[cg.senders]
    send_pos = jnp.take(cart, senders, axis=0)
    # offsets = cg.graph_data.abc[cg.edges.graph_i] * cg.edges.to_jimage
    offsets = jnp.take(abc, edge_graph_i, axis=0) * to_jimage
    # recv_pos = cg.nodes.cart[cg.receivers] + offsets
    recv_pos = jnp.take(cart, receivers, axis=0) + offsets
    # EinsOp('edge 3, edge 3 -> edge', combine='add', reduce='l2_norm')
    comb = send_pos + recv_pos
    dist = jnp.sqrt(jnp.sum(comb * comb, axis=-1) + 1e-12)
    # distance_enc: gaussian RBF expansion + linear projection
    rbf = jnp.exp(-((dist[:, None] - rbf_centers[None, :]) ** 2) / (2.0 * rbf_widths[None, :] ** 2))
    edge_emb = rbf @ dist_proj
    # species_emb: learned embedding table lookup
    node_emb = jnp.take(species_table, species, axis=0)
    graph_emb = jnp.zeros((n_node.shape[0], 0), dtype=jnp.float32)
    return (node_emb, senders, receivers, edge_emb, graph_emb,
            n_node, n_edge, node_graph_i, edge_graph_i)

if __name__ == "__main__":
    import jax
    _d = setup_inputs()
    print(jax.jit(kernel)(*tuple(_d.values())))

</pallas_src>

<mosaic_0001>
#map = affine_map<(d0, d1) -> (0)>
module attributes {stable_mosaic.version = 14 : i64} {
  func.func @body(%arg0: i32, %arg1: i32, %arg2: memref<10000xf32, #tpu.memory_space<hbm>>, %arg3: memref<10000xf32, #tpu.memory_space<hbm>>, %arg4: memref<10000xf32, #tpu.memory_space<hbm>>, %arg5: memref<32xf32, #tpu.memory_space<hbm>>, %arg6: memref<32xf32, #tpu.memory_space<hbm>>, %arg7: memref<32xf32, #tpu.memory_space<hbm>>, %arg8: memref<320000xi32, #tpu.memory_space<hbm>>, %arg9: memref<320000xi32, #tpu.memory_space<hbm>>, %arg10: memref<320000xf32, #tpu.memory_space<hbm>>, %arg11: memref<320000xf32, #tpu.memory_space<hbm>>, %arg12: memref<320000xf32, #tpu.memory_space<hbm>>, %arg13: memref<320000xi32, #tpu.memory_space<hbm>>, %arg14: memref<192000xf32, #tpu.memory_space<hbm>>, %arg15: memref<10000xf32, #tpu.memory_space<vmem>>, %arg16: memref<10000xf32, #tpu.memory_space<vmem>>, %arg17: memref<10000xf32, #tpu.memory_space<vmem>>, %arg18: memref<32xf32, #tpu.memory_space<vmem>>, %arg19: memref<32xf32, #tpu.memory_space<vmem>>, %arg20: memref<32xf32, #tpu.memory_space<vmem>>, %arg21: memref<6000xi32, #tpu.memory_space<vmem>>, %arg22: memref<6000xi32, #tpu.memory_space<vmem>>, %arg23: memref<6000xi32, #tpu.memory_space<vmem>>, %arg24: memref<6000xf32, #tpu.memory_space<vmem>>, %arg25: memref<6000xf32, #tpu.memory_space<vmem>>, %arg26: memref<6000xf32, #tpu.memory_space<vmem>>, %arg27: memref<6000xf32, #tpu.memory_space<vmem>>, %arg28: memref<!tpu.dma_semaphore, #tpu.memory_space<semaphore_mem>>, %arg29: memref<!tpu.dma_semaphore, #tpu.memory_space<semaphore_mem>>) attributes {dimension_semantics = [#tpu.dimension_semantics<core_parallel>, #tpu.dimension_semantics<subcore_parallel>], iteration_bounds = array<i64: 2, 16>, scalar_prefetch = 0 : i64, scratch_operands = 15 : i64, tpu.core_type = #tpu.core_type<sc_vector_subcore>, window_params = [{transform_indices = #map}, {transform_indices = #map}, {transform_indices = #map}, {transform_indices = #map}, {transform_indices = #map}, {transform_indices = #map}, {transform_indices = #map}, {transform_indices = #map}, {transform_indices = #map}, {transform_indices = #map}, {transform_indices = #map}, {transform_indices = #map}, {transform_indices = #map}]} {
    %mul3A = arith.constant 2 : i32
    %mul3A_0 = arith.muli %arg1, %mul3A : i32
    %add3A = arith.addi %mul3A_0, %arg0 : i32
    %mul3A_1 = arith.constant 6000 : i32
    %mul3A_2 = arith.muli %add3A, %mul3A_1 : i32
    %add3A_3 = arith.constant 128000 : i32
    %add3A_4 = arith.addi %add3A_3, %mul3A_2 : i32
    %dma_start3A = tpu.memref_slice %arg8[%add3A_4] : memref<320000xi32, #tpu.memory_space<hbm>> -> memref<6000xi32, #tpu.memory_space<hbm>>
    %dma_start3A_5 = tpu.memref_slice %arg8[%add3A_4] : memref<320000xi32, #tpu.memory_space<hbm>> -> memref<6000xi32, #tpu.memory_space<hbm>>
    tpu.enqueue_dma source(%dma_start3A_5 : memref<6000xi32, #tpu.memory_space<hbm>>) target(%arg21 : memref<6000xi32, #tpu.memory_space<vmem>>) target_semaphore(%arg28 : memref<!tpu.dma_semaphore, #tpu.memory_space<semaphore_mem>>)
    %dma_start3A_6 = tpu.memref_slice %arg9[%add3A_4] : memref<320000xi32, #tpu.memory_space<hbm>> -> memref<6000xi32, #tpu.memory_space<hbm>>
    %dma_start3A_7 = tpu.memref_slice %arg9[%add3A_4] : memref<320000xi32, #tpu.memory_space<hbm>> -> memref<6000xi32, #tpu.memory_space<hbm>>
    tpu.enqueue_dma source(%dma_start3A_7 : memref<6000xi32, #tpu.memory_space<hbm>>) target(%arg22 : memref<6000xi32, #tpu.memory_space<vmem>>) target_semaphore(%arg28 : memref<!tpu.dma_semaphore, #tpu.memory_space<semaphore_mem>>)
    %dma_start3A_8 = tpu.memref_slice %arg13[%add3A_4] : memref<320000xi32, #tpu.memory_space<hbm>> -> memref<6000xi32, #tpu.memory_space<hbm>>
    %dma_start3A_9 = tpu.memref_slice %arg13[%add3A_4] : memref<320000xi32, #tpu.memory_space<hbm>> -> memref<6000xi32, #tpu.memory_space<hbm>>
    tpu.enqueue_dma source(%dma_start3A_9 : memref<6000xi32, #tpu.memory_space<hbm>>) target(%arg23 : memref<6000xi32, #tpu.memory_space<vmem>>) target_semaphore(%arg28 : memref<!tpu.dma_semaphore, #tpu.memory_space<semaphore_mem>>)
    %dma_start3A_10 = tpu.memref_slice %arg10[%add3A_4] : memref<320000xf32, #tpu.memory_space<hbm>> -> memref<6000xf32, #tpu.memory_space<hbm>>
    %dma_start3A_11 = tpu.memref_slice %arg10[%add3A_4] : memref<320000xf32, #tpu.memory_space<hbm>> -> memref<6000xf32, #tpu.memory_space<hbm>>
    tpu.enqueue_dma source(%dma_start3A_11 : memref<6000xf32, #tpu.memory_space<hbm>>) target(%arg24 : memref<6000xf32, #tpu.memory_space<vmem>>) target_semaphore(%arg28 : memref<!tpu.dma_semaphore, #tpu.memory_space<semaphore_mem>>)
    %dma_start3A_12 = tpu.memref_slice %arg11[%add3A_4] : memref<320000xf32, #tpu.memory_space<hbm>> -> memref<6000xf32, #tpu.memory_space<hbm>>
    %dma_start3A_13 = tpu.memref_slice %arg11[%add3A_4] : memref<320000xf32, #tpu.memory_space<hbm>> -> memref<6000xf32, #tpu.memory_space<hbm>>
    tpu.enqueue_dma source(%dma_start3A_13 : memref<6000xf32, #tpu.memory_space<hbm>>) target(%arg25 : memref<6000xf32, #tpu.memory_space<vmem>>) target_semaphore(%arg28 : memref<!tpu.dma_semaphore, #tpu.memory_space<semaphore_mem>>)
    %dma_start3A_14 = tpu.memref_slice %arg12[%add3A_4] : memref<320000xf32, #tpu.memory_space<hbm>> -> memref<6000xf32, #tpu.memory_space<hbm>>
    %dma_start3A_15 = tpu.memref_slice %arg12[%add3A_4] : memref<320000xf32, #tpu.memory_space<hbm>> -> memref<6000xf32, #tpu.memory_space<hbm>>
    tpu.enqueue_dma source(%dma_start3A_15 : memref<6000xf32, #tpu.memory_space<hbm>>) target(%arg26 : memref<6000xf32, #tpu.memory_space<vmem>>) target_semaphore(%arg28 : memref<!tpu.dma_semaphore, #tpu.memory_space<semaphore_mem>>)
    tpu.enqueue_dma source(%arg2 : memref<10000xf32, #tpu.memory_space<hbm>>) target(%arg15 : memref<10000xf32, #tpu.memory_space<vmem>>) target_semaphore(%arg28 : memref<!tpu.dma_semaphore, #tpu.memory_space<semaphore_mem>>)
    tpu.enqueue_dma source(%arg3 : memref<10000xf32, #tpu.memory_space<hbm>>) target(%arg16 : memref<10000xf32, #tpu.memory_space<vmem>>) target_semaphore(%arg28 : memref<!tpu.dma_semaphore, #tpu.memory_space<semaphore_mem>>)
    tpu.enqueue_dma source(%arg4 : memref<10000xf32, #tpu.memory_space<hbm>>) target(%arg17 : memref<10000xf32, #tpu.memory_space<vmem>>) target_semaphore(%arg28 : memref<!tpu.dma_semaphore, #tpu.memory_space<semaphore_mem>>)
    tpu.enqueue_dma source(%arg5 : memref<32xf32, #tpu.memory_space<hbm>>) target(%arg18 : memref<32xf32, #tpu.memory_space<vmem>>) target_semaphore(%arg28 : memref<!tpu.dma_semaphore, #tpu.memory_space<semaphore_mem>>)
    tpu.enqueue_dma source(%arg6 : memref<32xf32, #tpu.memory_space<hbm>>) target(%arg19 : memref<32xf32, #tpu.memory_space<vmem>>) target_semaphore(%arg28 : memref<!tpu.dma_semaphore, #tpu.memory_space<semaphore_mem>>)
    tpu.enqueue_dma source(%arg7 : memref<32xf32, #tpu.memory_space<hbm>>) target(%arg20 : memref<32xf32, #tpu.memory_space<vmem>>) target_semaphore(%arg28 : memref<!tpu.dma_semaphore, #tpu.memory_space<semaphore_mem>>)
    %dma_wait3A = tpu.memref_slice %arg8[%add3A_4] : memref<320000xi32, #tpu.memory_space<hbm>> -> memref<6000xi32, #tpu.memory_space<hbm>>
    %dma_wait3A_16 = tpu.memref_slice %arg8[%add3A_4] : memref<320000xi32, #tpu.memory_space<hbm>> -> memref<6000xi32, #tpu.memory_space<hbm>>
    tpu.wait_dma2 semaphore(%arg28 : memref<!tpu.dma_semaphore, #tpu.memory_space<semaphore_mem>>) src(%dma_wait3A_16 : memref<6000xi32, #tpu.memory_space<hbm>>) dst(%arg21 : memref<6000xi32, #tpu.memory_space<vmem>>)
    %dma_wait3A_17 = tpu.memref_slice %arg9[%add3A_4] : memref<320000xi32, #tpu.memory_space<hbm>> -> memref<6000xi32, #tpu.memory_space<hbm>>
    %dma_wait3A_18 = tpu.memref_slice %arg9[%add3A_4] : memref<320000xi32, #tpu.memory_space<hbm>> -> memref<6000xi32, #tpu.memory_space<hbm>>
    tpu.wait_dma2 semaphore(%arg28 : memref<!tpu.dma_semaphore, #tpu.memory_space<semaphore_mem>>) src(%dma_wait3A_18 : memref<6000xi32, #tpu.memory_space<hbm>>) dst(%arg22 : memref<6000xi32, #tpu.memory_space<vmem>>)
    %dma_wait3A_19 = tpu.memref_slice %arg13[%add3A_4] : memref<320000xi32, #tpu.memory_space<hbm>> -> memref<6000xi32, #tpu.memory_space<hbm>>
    %dma_wait3A_20 = tpu.memref_slice %arg13[%add3A_4] : memref<320000xi32, #tpu.memory_space<hbm>> -> memref<6000xi32, #tpu.memory_space<hbm>>
    tpu.wait_dma2 semaphore(%arg28 : memref<!tpu.dma_semaphore, #tpu.memory_space<semaphore_mem>>) src(%dma_wait3A_20 : memref<6000xi32, #tpu.memory_space<hbm>>) dst(%arg23 : memref<6000xi32, #tpu.memory_space<vmem>>)
    %dma_wait3A_21 = tpu.memref_slice %arg10[%add3A_4] : memref<320000xf32, #tpu.memory_space<hbm>> -> memref<6000xf32, #tpu.memory_space<hbm>>
    %dma_wait3A_22 = tpu.memref_slice %arg10[%add3A_4] : memref<320000xf32, #tpu.memory_space<hbm>> -> memref<6000xf32, #tpu.memory_space<hbm>>
    tpu.wait_dma2 semaphore(%arg28 : memref<!tpu.dma_semaphore, #tpu.memory_space<semaphore_mem>>) src(%dma_wait3A_22 : memref<6000xf32, #tpu.memory_space<hbm>>) dst(%arg24 : memref<6000xf32, #tpu.memory_space<vmem>>)
    %dma_wait3A_23 = tpu.memref_slice %arg11[%add3A_4] : memref<320000xf32, #tpu.memory_space<hbm>> -> memref<6000xf32, #tpu.memory_space<hbm>>
    %dma_wait3A_24 = tpu.memref_slice %arg11[%add3A_4] : memref<320000xf32, #tpu.memory_space<hbm>> -> memref<6000xf32, #tpu.memory_space<hbm>>
    tpu.wait_dma2 semaphore(%arg28 : memref<!tpu.dma_semaphore, #tpu.memory_space<semaphore_mem>>) src(%dma_wait3A_24 : memref<6000xf32, #tpu.memory_space<hbm>>) dst(%arg25 : memref<6000xf32, #tpu.memory_space<vmem>>)
    %dma_wait3A_25 = tpu.memref_slice %arg12[%add3A_4] : memref<320000xf32, #tpu.memory_space<hbm>> -> memref<6000xf32, #tpu.memory_space<hbm>>
    %dma_wait3A_26 = tpu.memref_slice %arg12[%add3A_4] : memref<320000xf32, #tpu.memory_space<hbm>> -> memref<6000xf32, #tpu.memory_space<hbm>>
    tpu.wait_dma2 semaphore(%arg28 : memref<!tpu.dma_semaphore, #tpu.memory_space<semaphore_mem>>) src(%dma_wait3A_26 : memref<6000xf32, #tpu.memory_space<hbm>>) dst(%arg26 : memref<6000xf32, #tpu.memory_space<vmem>>)
    tpu.wait_dma2 semaphore(%arg28 : memref<!tpu.dma_semaphore, #tpu.memory_space<semaphore_mem>>) src(%arg2 : memref<10000xf32, #tpu.memory_space<hbm>>) dst(%arg15 : memref<10000xf32, #tpu.memory_space<vmem>>)
    tpu.wait_dma2 semaphore(%arg28 : memref<!tpu.dma_semaphore, #tpu.memory_space<semaphore_mem>>) src(%arg3 : memref<10000xf32, #tpu.memory_space<hbm>>) dst(%arg16 : memref<10000xf32, #tpu.memory_space<vmem>>)
    tpu.wait_dma2 semaphore(%arg28 : memref<!tpu.dma_semaphore, #tpu.memory_space<semaphore_mem>>) src(%arg4 : memref<10000xf32, #tpu.memory_space<hbm>>) dst(%arg17 : memref<10000xf32, #tpu.memory_space<vmem>>)
    tpu.wait_dma2 semaphore(%arg28 : memref<!tpu.dma_semaphore, #tpu.memory_space<semaphore_mem>>) src(%arg5 : memref<32xf32, #tpu.memory_space<hbm>>) dst(%arg18 : memref<32xf32, #tpu.memory_space<vmem>>)
    tpu.wait_dma2 semaphore(%arg28 : memref<!tpu.dma_semaphore, #tpu.memory_space<semaphore_mem>>) src(%arg6 : memref<32xf32, #tpu.memory_space<hbm>>) dst(%arg19 : memref<32xf32, #tpu.memory_space<vmem>>)
    tpu.wait_dma2 semaphore(%arg28 : memref<!tpu.dma_semaphore, #tpu.memory_space<semaphore_mem>>) src(%arg7 : memref<32xf32, #tpu.memory_space<hbm>>) dst(%arg20 : memref<32xf32, #tpu.memory_space<vmem>>)
    %parallel_loop3A = arith.constant 0 : i32
    %parallel_loop3A_27 = arith.constant 375 : i32
    %parallel_loop3A_28 = arith.constant 1 : i32
    scf.for %parallel_loop3A_35 = %parallel_loop3A to %parallel_loop3A_27 step %parallel_loop3A_28  : i32 {
      %parallel_loop3A_36 = arith.constant 16 : i32
      %parallel_loop3A_37 = arith.muli %parallel_loop3A_35, %parallel_loop3A_36 : i32
      %parallel_loop3A_38 = arith.index_cast %parallel_loop3A_37 : i32 to index
      %parallel_loop3A_39 = tpu.vector_load %arg21[%parallel_loop3A_38] {strides = array<i32>} : memref<6000xi32, #tpu.memory_space<vmem>>, vector<16xi32>,
      %parallel_loop3A_40 = arith.index_cast %parallel_loop3A_37 : i32 to index
      %parallel_loop3A_41 = tpu.vector_load %arg22[%parallel_loop3A_40] {strides = array<i32>} : memref<6000xi32, #tpu.memory_space<vmem>>, vector<16xi32>,
      %parallel_loop3A_42 = arith.index_cast %parallel_loop3A_37 : i32 to index
      %parallel_loop3A_43 = tpu.vector_load %arg23[%parallel_loop3A_42] {strides = array<i32>} : memref<6000xi32, #tpu.memory_space<vmem>>, vector<16xi32>,
      %parallel_loop3A_44 = tpu.vector_load_idx %arg15[%parallel_loop3A_39] : memref<10000xf32, #tpu.memory_space<vmem>>[vector<16xi32>], vector<16xf32>,
      %parallel_loop3A_45 = tpu.vector_load_idx %arg16[%parallel_loop3A_39] : memref<10000xf32, #tpu.memory_space<vmem>>[vector<16xi32>], vector<16xf32>,
      %parallel_loop3A_46 = tpu.vector_load_idx %arg17[%parallel_loop3A_39] : memref<10000xf32, #tpu.memory_space<vmem>>[vector<16xi32>], vector<16xf32>,
      %parallel_loop3A_47 = tpu.vector_load_idx %arg15[%parallel_loop3A_41] : memref<10000xf32, #tpu.memory_space<vmem>>[vector<16xi32>], vector<16xf32>,
      %parallel_loop3A_48 = tpu.vector_load_idx %arg16[%parallel_loop3A_41] : memref<10000xf32, #tpu.memory_space<vmem>>[vector<16xi32>], vector<16xf32>,
      %parallel_loop3A_49 = tpu.vector_load_idx %arg17[%parallel_loop3A_41] : memref<10000xf32, #tpu.memory_space<vmem>>[vector<16xi32>], vector<16xf32>,
      %parallel_loop3A_50 = tpu.vector_load_idx %arg18[%parallel_loop3A_43] : memref<32xf32, #tpu.memory_space<vmem>>[vector<16xi32>], vector<16xf32>,
      %parallel_loop3A_51 = tpu.vector_load_idx %arg19[%parallel_loop3A_43] : memref<32xf32, #tpu.memory_space<vmem>>[vector<16xi32>], vector<16xf32>,
      %parallel_loop3A_52 = tpu.vector_load_idx %arg20[%parallel_loop3A_43] : memref<32xf32, #tpu.memory_space<vmem>>[vector<16xi32>], vector<16xf32>,
      %parallel_loop3A_53 = arith.addf %parallel_loop3A_44, %parallel_loop3A_47 : vector<16xf32>
      %parallel_loop3A_54 = arith.index_cast %parallel_loop3A_37 : i32 to index
      %parallel_loop3A_55 = tpu.vector_load %arg24[%parallel_loop3A_54] {strides = array<i32>} : memref<6000xf32, #tpu.memory_space<vmem>>, vector<16xf32>,
      %parallel_loop3A_56 = arith.mulf %parallel_loop3A_50, %parallel_loop3A_55 : vector<16xf32>
      %parallel_loop3A_57 = arith.addf %parallel_loop3A_53, %parallel_loop3A_56 : vector<16xf32>
      %parallel_loop3A_58 = arith.addf %parallel_loop3A_45, %parallel_loop3A_48 : vector<16xf32>
      %parallel_loop3A_59 = arith.index_cast %parallel_loop3A_37 : i32 to index
      %parallel_loop3A_60 = tpu.vector_load %arg25[%parallel_loop3A_59] {strides = array<i32>} : memref<6000xf32, #tpu.memory_space<vmem>>, vector<16xf32>,
      %parallel_loop3A_61 = arith.mulf %parallel_loop3A_51, %parallel_loop3A_60 : vector<16xf32>
      %parallel_loop3A_62 = arith.addf %parallel_loop3A_58, %parallel_loop3A_61 : vector<16xf32>
      %parallel_loop3A_63 = arith.addf %parallel_loop3A_46, %parallel_loop3A_49 : vector<16xf32>
      %parallel_loop3A_64 = arith.index_cast %parallel_loop3A_37 : i32 to index
      %parallel_loop3A_65 = tpu.vector_load %arg26[%parallel_loop3A_64] {strides = array<i32>} : memref<6000xf32, #tpu.memory_space<vmem>>, vector<16xf32>,
      %parallel_loop3A_66 = arith.mulf %parallel_loop3A_52, %parallel_loop3A_65 : vector<16xf32>
      %parallel_loop3A_67 = arith.addf %parallel_loop3A_63, %parallel_loop3A_66 : vector<16xf32>
      %parallel_loop3A_68 = arith.mulf %parallel_loop3A_57, %parallel_loop3A_57 : vector<16xf32>
      %parallel_loop3A_69 = arith.mulf %parallel_loop3A_62, %parallel_loop3A_62 : vector<16xf32>
      %parallel_loop3A_70 = arith.addf %parallel_loop3A_68, %parallel_loop3A_69 : vector<16xf32>
      %parallel_loop3A_71 = arith.mulf %parallel_loop3A_67, %parallel_loop3A_67 : vector<16xf32>
      %parallel_loop3A_72 = arith.addf %parallel_loop3A_70, %parallel_loop3A_71 : vector<16xf32>
      %parallel_loop3A_73 = arith.constant 9.99999996E-13 : f32
      %parallel_loop3A_74 = vector.broadcast %parallel_loop3A_73 : f32 to vector<16xf32>
      %parallel_loop3A_75 = arith.addf %parallel_loop3A_72, %parallel_loop3A_74 : vector<16xf32>
      %parallel_loop3A_76 = arith.index_cast %parallel_loop3A_37 : i32 to index
      %parallel_loop3A_77 = tpu.vector_load %arg27[%parallel_loop3A_76] {strides = array<i32>} : memref<6000xf32, #tpu.memory_space<vmem>>, vector<16xf32>,
      tpu.vector_store %arg27[%parallel_loop3A_76], %parallel_loop3A_75 {strides = array<i32>} : memref<6000xf32, #tpu.memory_space<vmem>>, vector<16xf32>,
    } {sc.loop_unroll_factor = 4 : i64, sc.parallel_access}
    %mul3A_29 = arith.constant 6000 : i32
    %mul3A_30 = arith.muli %add3A, %mul3A_29 : i32
    %dma_start3A_31 = tpu.memref_slice %arg14[%mul3A_30] : memref<192000xf32, #tpu.memory_space<hbm>> -> memref<6000xf32, #tpu.memory_space<hbm>>
    %dma_start3A_32 = tpu.memref_slice %arg14[%mul3A_30] : memref<192000xf32, #tpu.memory_space<hbm>> -> memref<6000xf32, #tpu.memory_space<hbm>>
    tpu.enqueue_dma source(%arg27 : memref<6000xf32, #tpu.memory_space<vmem>>) target(%dma_start3A_32 : memref<6000xf32, #tpu.memory_space<hbm>>) target_semaphore(%arg29 : memref<!tpu.dma_semaphore, #tpu.memory_space<semaphore_mem>>)
    %dma_wait3A_33 = tpu.memref_slice %arg14[%mul3A_30] : memref<192000xf32, #tpu.memory_space<hbm>> -> memref<6000xf32, #tpu.memory_space<hbm>>
    %dma_wait3A_34 = tpu.memref_slice %arg14[%mul3A_30] : memref<192000xf32, #tpu.memory_space<hbm>> -> memref<6000xf32, #tpu.memory_space<hbm>>
    tpu.wait_dma2 semaphore(%arg29 : memref<!tpu.dma_semaphore, #tpu.memory_space<semaphore_mem>>) src(%arg27 : memref<6000xf32, #tpu.memory_space<vmem>>) dst(%dma_wait3A_34 : memref<6000xf32, #tpu.memory_space<hbm>>)
    return
  }
}

#map = affine_map<(d0, d1) -> (0)>
module attributes {stable_mosaic.version = 14 : i64} {
  func.func @body(%arg0: i32, %arg1: i32, %arg2: memref<10000xf32, #tpu.memory_space<hbm>>, %arg3: memref<10000xf32, #tpu.memory_space<hbm>>, %arg4: memref<10000xf32, #tpu.memory_space<hbm>>, %arg5: memref<32xf32, #tpu.memory_space<hbm>>, %arg6: memref<32xf32, #tpu.memory_space<hbm>>, %arg7: memref<32xf32, #tpu.memory_space<hbm>>, %arg8: memref<320000xi32, #tpu.memory_space<hbm>>, %arg9: memref<320000xi32, #tpu.memory_space<hbm>>, %arg10: memref<320000xf32, #tpu.memory_space<hbm>>, %arg11: memref<320000xf32, #tpu.memory_space<hbm>>, %arg12: memref<320000xf32, #tpu.memory_space<hbm>>, %arg13: memref<320000xi32, #tpu.memory_space<hbm>>, %arg14: memref<128000xf32, #tpu.memory_space<hbm>>, %arg15: memref<10000xf32, #tpu.memory_space<vmem>>, %arg16: memref<10000xf32, #tpu.memory_space<vmem>>, %arg17: memref<10000xf32, #tpu.memory_space<vmem>>, %arg18: memref<32xf32, #tpu.memory_space<vmem>>, %arg19: memref<32xf32, #tpu.memory_space<vmem>>, %arg20: memref<32xf32, #tpu.memory_space<vmem>>, %arg21: memref<4000xi32, #tpu.memory_space<vmem>>, %arg22: memref<4000xi32, #tpu.memory_space<vmem>>, %arg23: memref<4000xi32, #tpu.memory_space<vmem>>, %arg24: memref<4000xf32, #tpu.memory_space<vmem>>, %arg25: memref<4000xf32, #tpu.memory_space<vmem>>, %arg26: memref<4000xf32, #tpu.memory_space<vmem>>, %arg27: memref<4000xf32, #tpu.memory_space<vmem>>, %arg28: memref<!tpu.dma_semaphore, #tpu.memory_space<semaphore_mem>>, %arg29: memref<!tpu.dma_semaphore, #tpu.memory_space<semaphore_mem>>) attributes {dimension_semantics = [#tpu.dimension_semantics<core_parallel>, #tpu.dimension_semantics<subcore_parallel>], iteration_bounds = array<i64: 2, 16>, scalar_prefetch = 0 : i64, scratch_operands = 15 : i64, tpu.core_type = #tpu.core_type<sc_vector_subcore>, window_params = [{transform_indices = #map}, {transform_indices = #map}, {transform_indices = #map}, {transform_indices = #map}, {transform_indices = #map}, {transform_indices = #map}, {transform_indices = #map}, {transform_indices = #map}, {transform_indices = #map}, {transform_indices = #map}, {transform_indices = #map}, {transform_indices = #map}, {transform_indices = #map}]} {
    %mul3A = arith.constant 2 : i32
    %mul3A_0 = arith.muli %arg1, %mul3A : i32
    %add3A = arith.addi %mul3A_0, %arg0 : i32
    %mul3A_1 = arith.constant 4000 : i32
    %mul3A_2 = arith.muli %add3A, %mul3A_1 : i32
    %add3A_3 = arith.constant 0 : i32
    %add3A_4 = arith.addi %add3A_3, %mul3A_2 : i32
    %dma_start3A = tpu.memref_slice %arg8[%add3A_4] : memref<320000xi32, #tpu.memory_space<hbm>> -> memref<4000xi32, #tpu.memory_space<hbm>>
    %dma_start3A_5 = tpu.memref_slice %arg8[%add3A_4] : memref<320000xi32, #tpu.memory_space<hbm>> -> memref<4000xi32, #tpu.memory_space<hbm>>
    tpu.enqueue_dma source(%dma_start3A_5 : memref<4000xi32, #tpu.memory_space<hbm>>) target(%arg21 : memref<4000xi32, #tpu.memory_space<vmem>>) target_semaphore(%arg28 : memref<!tpu.dma_semaphore, #tpu.memory_space<semaphore_mem>>)
    %dma_start3A_6 = tpu.memref_slice %arg9[%add3A_4] : memref<320000xi32, #tpu.memory_space<hbm>> -> memref<4000xi32, #tpu.memory_space<hbm>>
    %dma_start3A_7 = tpu.memref_slice %arg9[%add3A_4] : memref<320000xi32, #tpu.memory_space<hbm>> -> memref<4000xi32, #tpu.memory_space<hbm>>
    tpu.enqueue_dma source(%dma_start3A_7 : memref<4000xi32, #tpu.memory_space<hbm>>) target(%arg22 : memref<4000xi32, #tpu.memory_space<vmem>>) target_semaphore(%arg28 : memref<!tpu.dma_semaphore, #tpu.memory_space<semaphore_mem>>)
    %dma_start3A_8 = tpu.memref_slice %arg13[%add3A_4] : memref<320000xi32, #tpu.memory_space<hbm>> -> memref<4000xi32, #tpu.memory_space<hbm>>
    %dma_start3A_9 = tpu.memref_slice %arg13[%add3A_4] : memref<320000xi32, #tpu.memory_space<hbm>> -> memref<4000xi32, #tpu.memory_space<hbm>>
    tpu.enqueue_dma source(%dma_start3A_9 : memref<4000xi32, #tpu.memory_space<hbm>>) target(%arg23 : memref<4000xi32, #tpu.memory_space<vmem>>) target_semaphore(%arg28 : memref<!tpu.dma_semaphore, #tpu.memory_space<semaphore_mem>>)
    %dma_start3A_10 = tpu.memref_slice %arg10[%add3A_4] : memref<320000xf32, #tpu.memory_space<hbm>> -> memref<4000xf32, #tpu.memory_space<hbm>>
    %dma_start3A_11 = tpu.memref_slice %arg10[%add3A_4] : memref<320000xf32, #tpu.memory_space<hbm>> -> memref<4000xf32, #tpu.memory_space<hbm>>
    tpu.enqueue_dma source(%dma_start3A_11 : memref<4000xf32, #tpu.memory_space<hbm>>) target(%arg24 : memref<4000xf32, #tpu.memory_space<vmem>>) target_semaphore(%arg28 : memref<!tpu.dma_semaphore, #tpu.memory_space<semaphore_mem>>)
    %dma_start3A_12 = tpu.memref_slice %arg11[%add3A_4] : memref<320000xf32, #tpu.memory_space<hbm>> -> memref<4000xf32, #tpu.memory_space<hbm>>
    %dma_start3A_13 = tpu.memref_slice %arg11[%add3A_4] : memref<320000xf32, #tpu.memory_space<hbm>> -> memref<4000xf32, #tpu.memory_space<hbm>>
    tpu.enqueue_dma source(%dma_start3A_13 : memref<4000xf32, #tpu.memory_space<hbm>>) target(%arg25 : memref<4000xf32, #tpu.memory_space<vmem>>) target_semaphore(%arg28 : memref<!tpu.dma_semaphore, #tpu.memory_space<semaphore_mem>>)
    %dma_start3A_14 = tpu.memref_slice %arg12[%add3A_4] : memref<320000xf32, #tpu.memory_space<hbm>> -> memref<4000xf32, #tpu.memory_space<hbm>>
    %dma_start3A_15 = tpu.memref_slice %arg12[%add3A_4] : memref<320000xf32, #tpu.memory_space<hbm>> -> memref<4000xf32, #tpu.memory_space<hbm>>
    tpu.enqueue_dma source(%dma_start3A_15 : memref<4000xf32, #tpu.memory_space<hbm>>) target(%arg26 : memref<4000xf32, #tpu.memory_space<vmem>>) target_semaphore(%arg28 : memref<!tpu.dma_semaphore, #tpu.memory_space<semaphore_mem>>)
    tpu.enqueue_dma source(%arg2 : memref<10000xf32, #tpu.memory_space<hbm>>) target(%arg15 : memref<10000xf32, #tpu.memory_space<vmem>>) target_semaphore(%arg28 : memref<!tpu.dma_semaphore, #tpu.memory_space<semaphore_mem>>)
    tpu.enqueue_dma source(%arg3 : memref<10000xf32, #tpu.memory_space<hbm>>) target(%arg16 : memref<10000xf32, #tpu.memory_space<vmem>>) target_semaphore(%arg28 : memref<!tpu.dma_semaphore, #tpu.memory_space<semaphore_mem>>)
    tpu.enqueue_dma source(%arg4 : memref<10000xf32, #tpu.memory_space<hbm>>) target(%arg17 : memref<10000xf32, #tpu.memory_space<vmem>>) target_semaphore(%arg28 : memref<!tpu.dma_semaphore, #tpu.memory_space<semaphore_mem>>)
    tpu.enqueue_dma source(%arg5 : memref<32xf32, #tpu.memory_space<hbm>>) target(%arg18 : memref<32xf32, #tpu.memory_space<vmem>>) target_semaphore(%arg28 : memref<!tpu.dma_semaphore, #tpu.memory_space<semaphore_mem>>)
    tpu.enqueue_dma source(%arg6 : memref<32xf32, #tpu.memory_space<hbm>>) target(%arg19 : memref<32xf32, #tpu.memory_space<vmem>>) target_semaphore(%arg28 : memref<!tpu.dma_semaphore, #tpu.memory_space<semaphore_mem>>)
    tpu.enqueue_dma source(%arg7 : memref<32xf32, #tpu.memory_space<hbm>>) target(%arg20 : memref<32xf32, #tpu.memory_space<vmem>>) target_semaphore(%arg28 : memref<!tpu.dma_semaphore, #tpu.memory_space<semaphore_mem>>)
    %dma_wait3A = tpu.memref_slice %arg8[%add3A_4] : memref<320000xi32, #tpu.memory_space<hbm>> -> memref<4000xi32, #tpu.memory_space<hbm>>
    %dma_wait3A_16 = tpu.memref_slice %arg8[%add3A_4] : memref<320000xi32, #tpu.memory_space<hbm>> -> memref<4000xi32, #tpu.memory_space<hbm>>
    tpu.wait_dma2 semaphore(%arg28 : memref<!tpu.dma_semaphore, #tpu.memory_space<semaphore_mem>>) src(%dma_wait3A_16 : memref<4000xi32, #tpu.memory_space<hbm>>) dst(%arg21 : memref<4000xi32, #tpu.memory_space<vmem>>)
    %dma_wait3A_17 = tpu.memref_slice %arg9[%add3A_4] : memref<320000xi32, #tpu.memory_space<hbm>> -> memref<4000xi32, #tpu.memory_space<hbm>>
    %dma_wait3A_18 = tpu.memref_slice %arg9[%add3A_4] : memref<320000xi32, #tpu.memory_space<hbm>> -> memref<4000xi32, #tpu.memory_space<hbm>>
    tpu.wait_dma2 semaphore(%arg28 : memref<!tpu.dma_semaphore, #tpu.memory_space<semaphore_mem>>) src(%dma_wait3A_18 : memref<4000xi32, #tpu.memory_space<hbm>>) dst(%arg22 : memref<4000xi32, #tpu.memory_space<vmem>>)
    %dma_wait3A_19 = tpu.memref_slice %arg13[%add3A_4] : memref<320000xi32, #tpu.memory_space<hbm>> -> memref<4000xi32, #tpu.memory_space<hbm>>
    %dma_wait3A_20 = tpu.memref_slice %arg13[%add3A_4] : memref<320000xi32, #tpu.memory_space<hbm>> -> memref<4000xi32, #tpu.memory_space<hbm>>
    tpu.wait_dma2 semaphore(%arg28 : memref<!tpu.dma_semaphore, #tpu.memory_space<semaphore_mem>>) src(%dma_wait3A_20 : memref<4000xi32, #tpu.memory_space<hbm>>) dst(%arg23 : memref<4000xi32, #tpu.memory_space<vmem>>)
    %dma_wait3A_21 = tpu.memref_slice %arg10[%add3A_4] : memref<320000xf32, #tpu.memory_space<hbm>> -> memref<4000xf32, #tpu.memory_space<hbm>>
    %dma_wait3A_22 = tpu.memref_slice %arg10[%add3A_4] : memref<320000xf32, #tpu.memory_space<hbm>> -> memref<4000xf32, #tpu.memory_space<hbm>>
    tpu.wait_dma2 semaphore(%arg28 : memref<!tpu.dma_semaphore, #tpu.memory_space<semaphore_mem>>) src(%dma_wait3A_22 : memref<4000xf32, #tpu.memory_space<hbm>>) dst(%arg24 : memref<4000xf32, #tpu.memory_space<vmem>>)
    %dma_wait3A_23 = tpu.memref_slice %arg11[%add3A_4] : memref<320000xf32, #tpu.memory_space<hbm>> -> memref<4000xf32, #tpu.memory_space<hbm>>
    %dma_wait3A_24 = tpu.memref_slice %arg11[%add3A_4] : memref<320000xf32, #tpu.memory_space<hbm>> -> memref<4000xf32, #tpu.memory_space<hbm>>
    tpu.wait_dma2 semaphore(%arg28 : memref<!tpu.dma_semaphore, #tpu.memory_space<semaphore_mem>>) src(%dma_wait3A_24 : memref<4000xf32, #tpu.memory_space<hbm>>) dst(%arg25 : memref<4000xf32, #tpu.memory_space<vmem>>)
    %dma_wait3A_25 = tpu.memref_slice %arg12[%add3A_4] : memref<320000xf32, #tpu.memory_space<hbm>> -> memref<4000xf32, #tpu.memory_space<hbm>>
    %dma_wait3A_26 = tpu.memref_slice %arg12[%add3A_4] : memref<320000xf32, #tpu.memory_space<hbm>> -> memref<4000xf32, #tpu.memory_space<hbm>>
    tpu.wait_dma2 semaphore(%arg28 : memref<!tpu.dma_semaphore, #tpu.memory_space<semaphore_mem>>) src(%dma_wait3A_26 : memref<4000xf32, #tpu.memory_space<hbm>>) dst(%arg26 : memref<4000xf32, #tpu.memory_space<vmem>>)
    tpu.wait_dma2 semaphore(%arg28 : memref<!tpu.dma_semaphore, #tpu.memory_space<semaphore_mem>>) src(%arg2 : memref<10000xf32, #tpu.memory_space<hbm>>) dst(%arg15 : memref<10000xf32, #tpu.memory_space<vmem>>)
    tpu.wait_dma2 semaphore(%arg28 : memref<!tpu.dma_semaphore, #tpu.memory_space<semaphore_mem>>) src(%arg3 : memref<10000xf32, #tpu.memory_space<hbm>>) dst(%arg16 : memref<10000xf32, #tpu.memory_space<vmem>>)
    tpu.wait_dma2 semaphore(%arg28 : memref<!tpu.dma_semaphore, #tpu.memory_space<semaphore_mem>>) src(%arg4 : memref<10000xf32, #tpu.memory_space<hbm>>) dst(%arg17 : memref<10000xf32, #tpu.memory_space<vmem>>)
    tpu.wait_dma2 semaphore(%arg28 : memref<!tpu.dma_semaphore, #tpu.memory_space<semaphore_mem>>) src(%arg5 : memref<32xf32, #tpu.memory_space<hbm>>) dst(%arg18 : memref<32xf32, #tpu.memory_space<vmem>>)
    tpu.wait_dma2 semaphore(%arg28 : memref<!tpu.dma_semaphore, #tpu.memory_space<semaphore_mem>>) src(%arg6 : memref<32xf32, #tpu.memory_space<hbm>>) dst(%arg19 : memref<32xf32, #tpu.memory_space<vmem>>)
    tpu.wait_dma2 semaphore(%arg28 : memref<!tpu.dma_semaphore, #tpu.memory_space<semaphore_mem>>) src(%arg7 : memref<32xf32, #tpu.memory_space<hbm>>) dst(%arg20 : memref<32xf32, #tpu.memory_space<vmem>>)
    %parallel_loop3A = arith.constant 0 : i32
    %parallel_loop3A_27 = arith.constant 250 : i32
    %parallel_loop3A_28 = arith.constant 1 : i32
    scf.for %parallel_loop3A_35 = %parallel_loop3A to %parallel_loop3A_27 step %parallel_loop3A_28  : i32 {
      %parallel_loop3A_36 = arith.constant 16 : i32
      %parallel_loop3A_37 = arith.muli %parallel_loop3A_35, %parallel_loop3A_36 : i32
      %parallel_loop3A_38 = arith.index_cast %parallel_loop3A_37 : i32 to index
      %parallel_loop3A_39 = tpu.vector_load %arg21[%parallel_loop3A_38] {strides = array<i32>} : memref<4000xi32, #tpu.memory_space<vmem>>, vector<16xi32>,
      %parallel_loop3A_40 = arith.index_cast %parallel_loop3A_37 : i32 to index
      %parallel_loop3A_41 = tpu.vector_load %arg22[%parallel_loop3A_40] {strides = array<i32>} : memref<4000xi32, #tpu.memory_space<vmem>>, vector<16xi32>,
      %parallel_loop3A_42 = arith.index_cast %parallel_loop3A_37 : i32 to index
      %parallel_loop3A_43 = tpu.vector_load %arg23[%parallel_loop3A_42] {strides = array<i32>} : memref<4000xi32, #tpu.memory_space<vmem>>, vector<16xi32>,
      %parallel_loop3A_44 = tpu.vector_load_idx %arg15[%parallel_loop3A_39] : memref<10000xf32, #tpu.memory_space<vmem>>[vector<16xi32>], vector<16xf32>,
      %parallel_loop3A_45 = tpu.vector_load_idx %arg16[%parallel_loop3A_39] : memref<10000xf32, #tpu.memory_space<vmem>>[vector<16xi32>], vector<16xf32>,
      %parallel_loop3A_46 = tpu.vector_load_idx %arg17[%parallel_loop3A_39] : memref<10000xf32, #tpu.memory_space<vmem>>[vector<16xi32>], vector<16xf32>,
      %parallel_loop3A_47 = tpu.vector_load_idx %arg15[%parallel_loop3A_41] : memref<10000xf32, #tpu.memory_space<vmem>>[vector<16xi32>], vector<16xf32>,
      %parallel_loop3A_48 = tpu.vector_load_idx %arg16[%parallel_loop3A_41] : memref<10000xf32, #tpu.memory_space<vmem>>[vector<16xi32>], vector<16xf32>,
      %parallel_loop3A_49 = tpu.vector_load_idx %arg17[%parallel_loop3A_41] : memref<10000xf32, #tpu.memory_space<vmem>>[vector<16xi32>], vector<16xf32>,
      %parallel_loop3A_50 = tpu.vector_load_idx %arg18[%parallel_loop3A_43] : memref<32xf32, #tpu.memory_space<vmem>>[vector<16xi32>], vector<16xf32>,
      %parallel_loop3A_51 = tpu.vector_load_idx %arg19[%parallel_loop3A_43] : memref<32xf32, #tpu.memory_space<vmem>>[vector<16xi32>], vector<16xf32>,
      %parallel_loop3A_52 = tpu.vector_load_idx %arg20[%parallel_loop3A_43] : memref<32xf32, #tpu.memory_space<vmem>>[vector<16xi32>], vector<16xf32>,
      %parallel_loop3A_53 = arith.addf %parallel_loop3A_44, %parallel_loop3A_47 : vector<16xf32>
      %parallel_loop3A_54 = arith.index_cast %parallel_loop3A_37 : i32 to index
      %parallel_loop3A_55 = tpu.vector_load %arg24[%parallel_loop3A_54] {strides = array<i32>} : memref<4000xf32, #tpu.memory_space<vmem>>, vector<16xf32>,
      %parallel_loop3A_56 = arith.mulf %parallel_loop3A_50, %parallel_loop3A_55 : vector<16xf32>
      %parallel_loop3A_57 = arith.addf %parallel_loop3A_53, %parallel_loop3A_56 : vector<16xf32>
      %parallel_loop3A_58 = arith.addf %parallel_loop3A_45, %parallel_loop3A_48 : vector<16xf32>
      %parallel_loop3A_59 = arith.index_cast %parallel_loop3A_37 : i32 to index
      %parallel_loop3A_60 = tpu.vector_load %arg25[%parallel_loop3A_59] {strides = array<i32>} : memref<4000xf32, #tpu.memory_space<vmem>>, vector<16xf32>,
      %parallel_loop3A_61 = arith.mulf %parallel_loop3A_51, %parallel_loop3A_60 : vector<16xf32>
      %parallel_loop3A_62 = arith.addf %parallel_loop3A_58, %parallel_loop3A_61 : vector<16xf32>
      %parallel_loop3A_63 = arith.addf %parallel_loop3A_46, %parallel_loop3A_49 : vector<16xf32>
      %parallel_loop3A_64 = arith.index_cast %parallel_loop3A_37 : i32 to index
      %parallel_loop3A_65 = tpu.vector_load %arg26[%parallel_loop3A_64] {strides = array<i32>} : memref<4000xf32, #tpu.memory_space<vmem>>, vector<16xf32>,
      %parallel_loop3A_66 = arith.mulf %parallel_loop3A_52, %parallel_loop3A_65 : vector<16xf32>
      %parallel_loop3A_67 = arith.addf %parallel_loop3A_63, %parallel_loop3A_66 : vector<16xf32>
      %parallel_loop3A_68 = arith.mulf %parallel_loop3A_57, %parallel_loop3A_57 : vector<16xf32>
      %parallel_loop3A_69 = arith.mulf %parallel_loop3A_62, %parallel_loop3A_62 : vector<16xf32>
      %parallel_loop3A_70 = arith.addf %parallel_loop3A_68, %parallel_loop3A_69 : vector<16xf32>
      %parallel_loop3A_71 = arith.mulf %parallel_loop3A_67, %parallel_loop3A_67 : vector<16xf32>
      %parallel_loop3A_72 = arith.addf %parallel_loop3A_70, %parallel_loop3A_71 : vector<16xf32>
      %parallel_loop3A_73 = arith.constant 9.99999996E-13 : f32
      %parallel_loop3A_74 = vector.broadcast %parallel_loop3A_73 : f32 to vector<16xf32>
      %parallel_loop3A_75 = arith.addf %parallel_loop3A_72, %parallel_loop3A_74 : vector<16xf32>
      %parallel_loop3A_76 = arith.index_cast %parallel_loop3A_37 : i32 to index
      %parallel_loop3A_77 = tpu.vector_load %arg27[%parallel_loop3A_76] {strides = array<i32>} : memref<4000xf32, #tpu.memory_space<vmem>>, vector<16xf32>,
      tpu.vector_store %arg27[%parallel_loop3A_76], %parallel_loop3A_75 {strides = array<i32>} : memref<4000xf32, #tpu.memory_space<vmem>>, vector<16xf32>,
    } {sc.loop_unroll_factor = 4 : i64, sc.parallel_access}
    %mul3A_29 = arith.constant 4000 : i32
    %mul3A_30 = arith.muli %add3A, %mul3A_29 : i32
    %dma_start3A_31 = tpu.memref_slice %arg14[%mul3A_30] : memref<128000xf32, #tpu.memory_space<hbm>> -> memref<4000xf32, #tpu.memory_space<hbm>>
    %dma_start3A_32 = tpu.memref_slice %arg14[%mul3A_30] : memref<128000xf32, #tpu.memory_space<hbm>> -> memref<4000xf32, #tpu.memory_space<hbm>>
    tpu.enqueue_dma source(%arg27 : memref<4000xf32, #tpu.memory_space<vmem>>) target(%dma_start3A_32 : memref<4000xf32, #tpu.memory_space<hbm>>) target_semaphore(%arg29 : memref<!tpu.dma_semaphore, #tpu.memory_space<semaphore_mem>>)
    %dma_wait3A_33 = tpu.memref_slice %arg14[%mul3A_30] : memref<128000xf32, #tpu.memory_space<hbm>> -> memref<4000xf32, #tpu.memory_space<hbm>>
    %dma_wait3A_34 = tpu.memref_slice %arg14[%mul3A_30] : memref<128000xf32, #tpu.memory_space<hbm>> -> memref<4000xf32, #tpu.memory_space<hbm>>
    tpu.wait_dma2 semaphore(%arg29 : memref<!tpu.dma_semaphore, #tpu.memory_space<semaphore_mem>>) src(%arg27 : memref<4000xf32, #tpu.memory_space<vmem>>) dst(%dma_wait3A_34 : memref<4000xf32, #tpu.memory_space<hbm>>)
    return
  }
}

#map = affine_map<(d0, d1) -> (0)>
#map1 = affine_map<(d0, d1) -> (0, 0)>
module attributes {stable_mosaic.version = 14 : i64} {
  func.func @body(%arg0: i32, %arg1: i32, %arg2: memref<10000xi32, #tpu.memory_space<hbm>>, %arg3: memref<100x128xf32, #tpu.memory_space<hbm>>, %arg4: memref<10000x128xf32, #tpu.memory_space<hbm>>, %arg5: memref<80xi32, #tpu.memory_space<vmem>>, %arg6: memref<80xi32, #tpu.memory_space<vmem>>, %arg7: memref<80xi32, #tpu.memory_space<vmem>>, %arg8: memref<80xi32, #tpu.memory_space<vmem>>, %arg9: memref<80x128xf32, #tpu.memory_space<vmem>>, %arg10: memref<80x128xf32, #tpu.memory_space<vmem>>, %arg11: memref<80x128xf32, #tpu.memory_space<vmem>>, %arg12: memref<80x128xf32, #tpu.memory_space<vmem>>, %arg13: memref<!tpu.dma_semaphore, #tpu.memory_space<semaphore_mem>>) attributes {dimension_semantics = [#tpu.dimension_semantics<core_parallel>, #tpu.dimension_semantics<subcore_parallel>], iteration_bounds = array<i64: 2, 16>, scalar_prefetch = 0 : i64, scratch_operands = 9 : i64, tpu.core_type = #tpu.core_type<sc_vector_subcore>, window_params = [{transform_indices = #map}, {transform_indices = #map1}, {transform_indices = #map1}]} {
    %mul3A = arith.constant 2 : i32
    %mul3A_0 = arith.muli %arg1, %mul3A : i32
    %add3A = arith.addi %mul3A_0, %arg0 : i32
    %mul3A_1 = arith.constant 320 : i32
    %mul3A_2 = arith.muli %add3A, %mul3A_1 : i32
    %add3A_3 = arith.constant 0 : i32
    %add3A_4 = arith.addi %mul3A_2, %add3A_3 : i32
    %lt3A = arith.constant 10000 : i32
    %lt3A_5 = arith.cmpi slt, %add3A_4, %lt3A : i32
    %convert_element_type3A = arith.extui %lt3A_5 : i1 to i32
    %cond3A = arith.constant 0 : i32
    %cond3A_6 = arith.cmpi ne, %convert_element_type3A, %cond3A : i32
    scf.if %cond3A_6 {
      "tpu.region"() ({
        %run_scoped3A = tpu.sem_alloc : memref<!tpu.dma_semaphore, #tpu.memory_space<semaphore_mem>>
        %dma_start3A_32 = tpu.memref_slice %arg2[%add3A_4] : memref<10000xi32, #tpu.memory_space<hbm>> -> memref<80xi32, #tpu.memory_space<hbm>>
        %dma_start3A_33 = tpu.memref_slice %arg2[%add3A_4] : memref<10000xi32, #tpu.memory_space<hbm>> -> memref<80xi32, #tpu.memory_space<hbm>>
        tpu.enqueue_dma source(%dma_start3A_33 : memref<80xi32, #tpu.memory_space<hbm>>) target(%arg5 : memref<80xi32, #tpu.memory_space<vmem>>) target_semaphore(%run_scoped3A : memref<!tpu.dma_semaphore, #tpu.memory_space<semaphore_mem>>)
        %dma_wait3A_34 = tpu.memref_slice %arg2[%add3A_4] : memref<10000xi32, #tpu.memory_space<hbm>> -> memref<80xi32, #tpu.memory_space<hbm>>
        %dma_wait3A_35 = tpu.memref_slice %arg2[%add3A_4] : memref<10000xi32, #tpu.memory_space<hbm>> -> memref<80xi32, #tpu.memory_space<hbm>>
        tpu.wait_dma2 semaphore(%run_scoped3A : memref<!tpu.dma_semaphore, #tpu.memory_space<semaphore_mem>>) src(%dma_wait3A_35 : memref<80xi32, #tpu.memory_space<hbm>>) dst(%arg5 : memref<80xi32, #tpu.memory_space<vmem>>)
        tpu.yield
      }) : () -> ()
      %dma_start3A = arith.constant 0 : i32
      %dma_start3A_28 = arith.constant 0 : i32
      %dma_start3A_29 = tpu.memref_slice %arg3[%dma_start3A, %dma_start3A_28] : memref<100x128xf32, #tpu.memory_space<hbm>> -> memref<100x128xf32, #tpu.memory_space<hbm>>
      tpu.enqueue_indirect_dma source(%dma_start3A_29 : memref<100x128xf32, #tpu.memory_space<hbm>>) target(%arg9 : memref<80x128xf32, #tpu.memory_space<vmem>>) offsets(%arg5 : memref<80xi32, #tpu.memory_space<vmem>>) semaphore(%arg13 : memref<!tpu.dma_semaphore, #tpu.memory_space<semaphore_mem>>)
      %dma_wait3A = arith.constant 0 : i32
      %dma_wait3A_30 = arith.constant 0 : i32
      %dma_wait3A_31 = tpu.memref_slice %arg3[%dma_wait3A, %dma_wait3A_30] : memref<100x128xf32, #tpu.memory_space<hbm>> -> memref<100x128xf32, #tpu.memory_space<hbm>>
      tpu.wait_indirect_dma semaphore(%arg13 : memref<!tpu.dma_semaphore, #tpu.memory_space<semaphore_mem>>) src(%dma_wait3A_31 : memref<100x128xf32, #tpu.memory_space<hbm>>) dst(%arg9 : memref<80x128xf32, #tpu.memory_space<vmem>>)
      "tpu.region"() ({
        %run_scoped3A = tpu.sem_alloc : memref<!tpu.dma_semaphore, #tpu.memory_space<semaphore_mem>>
        %dma_start3A_32 = arith.constant 0 : i32
        %dma_start3A_33 = tpu.memref_slice %arg4[%add3A_4, %dma_start3A_32] : memref<10000x128xf32, #tpu.memory_space<hbm>> -> memref<80x128xf32, #tpu.memory_space<hbm>>
        %dma_start3A_34 = arith.constant 0 : i32
        %dma_start3A_35 = tpu.memref_slice %arg4[%add3A_4, %dma_start3A_34] : memref<10000x128xf32, #tpu.memory_space<hbm>> -> memref<80x128xf32, #tpu.memory_space<hbm>>
        tpu.enqueue_dma source(%arg9 : memref<80x128xf32, #tpu.memory_space<vmem>>) target(%dma_start3A_35 : memref<80x128xf32, #tpu.memory_space<hbm>>) target_semaphore(%run_scoped3A : memref<!tpu.dma_semaphore, #tpu.memory_space<semaphore_mem>>)
        %dma_wait3A_36 = arith.constant 0 : i32
        %dma_wait3A_37 = tpu.memref_slice %arg4[%add3A_4, %dma_wait3A_36] : memref<10000x128xf32, #tpu.memory_space<hbm>> -> memref<80x128xf32, #tpu.memory_space<hbm>>
        %dma_wait3A_38 = arith.constant 0 : i32
        %dma_wait3A_39 = tpu.memref_slice %arg4[%add3A_4, %dma_wait3A_38] : memref<10000x128xf32, #tpu.memory_space<hbm>> -> memref<80x128xf32, #tpu.memory_space<hbm>>
        tpu.wait_dma2 semaphore(%run_scoped3A : memref<!tpu.dma_semaphore, #tpu.memory_space<semaphore_mem>>) src(%arg9 : memref<80x128xf32, #tpu.memory_space<vmem>>) dst(%dma_wait3A_39 : memref<80x128xf32, #tpu.memory_space<hbm>>)
        tpu.yield
      }) : () -> ()
    } else {
    }
    %add3A_7 = arith.constant 80 : i32
    %add3A_8 = arith.addi %mul3A_2, %add3A_7 : i32
    %lt3A_9 = arith.constant 10000 : i32
    %lt3A_10 = arith.cmpi slt, %add3A_8, %lt3A_9 : i32
    %convert_element_type3A_11 = arith.extui %lt3A_10 : i1 to i32
    %cond3A_12 = arith.constant 0 : i32
    %cond3A_13 = arith.cmpi ne, %convert_element_type3A_11, %cond3A_12 : i32
    scf.if %cond3A_13 {
      "tpu.region"() ({
        %run_scoped3A = tpu.sem_alloc : memref<!tpu.dma_semaphore, #tpu.memory_space<semaphore_mem>>
        %dma_start3A_32 = tpu.memref_slice %arg2[%add3A_8] : memref<10000xi32, #tpu.memory_space<hbm>> -> memref<80xi32, #tpu.memory_space<hbm>>
        %dma_start3A_33 = tpu.memref_slice %arg2[%add3A_8] : memref<10000xi32, #tpu.memory_space<hbm>> -> memref<80xi32, #tpu.memory_space<hbm>>
        tpu.enqueue_dma source(%dma_start3A_33 : memref<80xi32, #tpu.memory_space<hbm>>) target(%arg6 : memref<80xi32, #tpu.memory_space<vmem>>) target_semaphore(%run_scoped3A : memref<!tpu.dma_semaphore, #tpu.memory_space<semaphore_mem>>)
        %dma_wait3A_34 = tpu.memref_slice %arg2[%add3A_8] : memref<10000xi32, #tpu.memory_space<hbm>> -> memref<80xi32, #tpu.memory_space<hbm>>
        %dma_wait3A_35 = tpu.memref_slice %arg2[%add3A_8] : memref<10000xi32, #tpu.memory_space<hbm>> -> memref<80xi32, #tpu.memory_space<hbm>>
        tpu.wait_dma2 semaphore(%run_scoped3A : memref<!tpu.dma_semaphore, #tpu.memory_space<semaphore_mem>>) src(%dma_wait3A_35 : memref<80xi32, #tpu.memory_space<hbm>>) dst(%arg6 : memref<80xi32, #tpu.memory_space<vmem>>)
        tpu.yield
      }) : () -> ()
      %dma_start3A = arith.constant 0 : i32
      %dma_start3A_28 = arith.constant 0 : i32
      %dma_start3A_29 = tpu.memref_slice %arg3[%dma_start3A, %dma_start3A_28] : memref<100x128xf32, #tpu.memory_space<hbm>> -> memref<100x128xf32, #tpu.memory_space<hbm>>
      tpu.enqueue_indirect_dma source(%dma_start3A_29 : memref<100x128xf32, #tpu.memory_space<hbm>>) target(%arg10 : memref<80x128xf32, #tpu.memory_space<vmem>>) offsets(%arg6 : memref<80xi32, #tpu.memory_space<vmem>>) semaphore(%arg13 : memref<!tpu.dma_semaphore, #tpu.memory_space<semaphore_mem>>)
      %dma_wait3A = arith.constant 0 : i32
      %dma_wait3A_30 = arith.constant 0 : i32
      %dma_wait3A_31 = tpu.memref_slice %arg3[%dma_wait3A, %dma_wait3A_30] : memref<100x128xf32, #tpu.memory_space<hbm>> -> memref<100x128xf32, #tpu.memory_space<hbm>>
      tpu.wait_indirect_dma semaphore(%arg13 : memref<!tpu.dma_semaphore, #tpu.memory_space<semaphore_mem>>) src(%dma_wait3A_31 : memref<100x128xf32, #tpu.memory_space<hbm>>) dst(%arg10 : memref<80x128xf32, #tpu.memory_space<vmem>>)
      "tpu.region"() ({
        %run_scoped3A = tpu.sem_alloc : memref<!tpu.dma_semaphore, #tpu.memory_space<semaphore_mem>>
        %dma_start3A_32 = arith.constant 0 : i32
        %dma_start3A_33 = tpu.memref_slice %arg4[%add3A_8, %dma_start3A_32] : memref<10000x128xf32, #tpu.memory_space<hbm>> -> memref<80x128xf32, #tpu.memory_space<hbm>>
        %dma_start3A_34 = arith.constant 0 : i32
        %dma_start3A_35 = tpu.memref_slice %arg4[%add3A_8, %dma_start3A_34] : memref<10000x128xf32, #tpu.memory_space<hbm>> -> memref<80x128xf32, #tpu.memory_space<hbm>>
        tpu.enqueue_dma source(%arg10 : memref<80x128xf32, #tpu.memory_space<vmem>>) target(%dma_start3A_35 : memref<80x128xf32, #tpu.memory_space<hbm>>) target_semaphore(%run_scoped3A : memref<!tpu.dma_semaphore, #tpu.memory_space<semaphore_mem>>)
        %dma_wait3A_36 = arith.constant 0 : i32
        %dma_wait3A_37 = tpu.memref_slice %arg4[%add3A_8, %dma_wait3A_36] : memref<10000x128xf32, #tpu.memory_space<hbm>> -> memref<80x128xf32, #tpu.memory_space<hbm>>
        %dma_wait3A_38 = arith.constant 0 : i32
        %dma_wait3A_39 = tpu.memref_slice %arg4[%add3A_8, %dma_wait3A_38] : memref<10000x128xf32, #tpu.memory_space<hbm>> -> memref<80x128xf32, #tpu.memory_space<hbm>>
        tpu.wait_dma2 semaphore(%run_scoped3A : memref<!tpu.dma_semaphore, #tpu.memory_space<semaphore_mem>>) src(%arg10 : memref<80x128xf32, #tpu.memory_space<vmem>>) dst(%dma_wait3A_39 : memref<80x128xf32, #tpu.memory_space<hbm>>)
        tpu.yield
      }) : () -> ()
    } else {
    }
    %add3A_14 = arith.constant 160 : i32
    %add3A_15 = arith.addi %mul3A_2, %add3A_14 : i32
    %lt3A_16 = arith.constant 10000 : i32
    %lt3A_17 = arith.cmpi slt, %add3A_15, %lt3A_16 : i32
    %convert_element_type3A_18 = arith.extui %lt3A_17 : i1 to i32
    %cond3A_19 = arith.constant 0 : i32
    %cond3A_20 = arith.cmpi ne, %convert_element_type3A_18, %cond3A_19 : i32
    scf.if %cond3A_20 {
      "tpu.region"() ({
        %run_scoped3A = tpu.sem_alloc : memref<!tpu.dma_semaphore, #tpu.memory_space<semaphore_mem>>
        %dma_start3A_32 = tpu.memref_slice %arg2[%add3A_15] : memref<10000xi32, #tpu.memory_space<hbm>> -> memref<80xi32, #tpu.memory_space<hbm>>
        %dma_start3A_33 = tpu.memref_slice %arg2[%add3A_15] : memref<10000xi32, #tpu.memory_space<hbm>> -> memref<80xi32, #tpu.memory_space<hbm>>
        tpu.enqueue_dma source(%dma_start3A_33 : memref<80xi32, #tpu.memory_space<hbm>>) target(%arg7 : memref<80xi32, #tpu.memory_space<vmem>>) target_semaphore(%run_scoped3A : memref<!tpu.dma_semaphore, #tpu.memory_space<semaphore_mem>>)
        %dma_wait3A_34 = tpu.memref_slice %arg2[%add3A_15] : memref<10000xi32, #tpu.memory_space<hbm>> -> memref<80xi32, #tpu.memory_space<hbm>>
        %dma_wait3A_35 = tpu.memref_slice %arg2[%add3A_15] : memref<10000xi32, #tpu.memory_space<hbm>> -> memref<80xi32, #tpu.memory_space<hbm>>
        tpu.wait_dma2 semaphore(%run_scoped3A : memref<!tpu.dma_semaphore, #tpu.memory_space<semaphore_mem>>) src(%dma_wait3A_35 : memref<80xi32, #tpu.memory_space<hbm>>) dst(%arg7 : memref<80xi32, #tpu.memory_space<vmem>>)
        tpu.yield
      }) : () -> ()
      %dma_start3A = arith.constant 0 : i32
      %dma_start3A_28 = arith.constant 0 : i32
      %dma_start3A_29 = tpu.memref_slice %arg3[%dma_start3A, %dma_start3A_28] : memref<100x128xf32, #tpu.memory_space<hbm>> -> memref<100x128xf32, #tpu.memory_space<hbm>>
      tpu.enqueue_indirect_dma source(%dma_start3A_29 : memref<100x128xf32, #tpu.memory_space<hbm>>) target(%arg11 : memref<80x128xf32, #tpu.memory_space<vmem>>) offsets(%arg7 : memref<80xi32, #tpu.memory_space<vmem>>) semaphore(%arg13 : memref<!tpu.dma_semaphore, #tpu.memory_space<semaphore_mem>>)
      %dma_wait3A = arith.constant 0 : i32
      %dma_wait3A_30 = arith.constant 0 : i32
      %dma_wait3A_31 = tpu.memref_slice %arg3[%dma_wait3A, %dma_wait3A_30] : memref<100x128xf32, #tpu.memory_space<hbm>> -> memref<100x128xf32, #tpu.memory_space<hbm>>
      tpu.wait_indirect_dma semaphore(%arg13 : memref<!tpu.dma_semaphore, #tpu.memory_space<semaphore_mem>>) src(%dma_wait3A_31 : memref<100x128xf32, #tpu.memory_space<hbm>>) dst(%arg11 : memref<80x128xf32, #tpu.memory_space<vmem>>)
      "tpu.region"() ({
        %run_scoped3A = tpu.sem_alloc : memref<!tpu.dma_semaphore, #tpu.memory_space<semaphore_mem>>
        %dma_start3A_32 = arith.constant 0 : i32
        %dma_start3A_33 = tpu.memref_slice %arg4[%add3A_15, %dma_start3A_32] : memref<10000x128xf32, #tpu.memory_space<hbm>> -> memref<80x128xf32, #tpu.memory_space<hbm>>
        %dma_start3A_34 = arith.constant 0 : i32
        %dma_start3A_35 = tpu.memref_slice %arg4[%add3A_15, %dma_start3A_34] : memref<10000x128xf32, #tpu.memory_space<hbm>> -> memref<80x128xf32, #tpu.memory_space<hbm>>
        tpu.enqueue_dma source(%arg11 : memref<80x128xf32, #tpu.memory_space<vmem>>) target(%dma_start3A_35 : memref<80x128xf32, #tpu.memory_space<hbm>>) target_semaphore(%run_scoped3A : memref<!tpu.dma_semaphore, #tpu.memory_space<semaphore_mem>>)
        %dma_wait3A_36 = arith.constant 0 : i32
        %dma_wait3A_37 = tpu.memref_slice %arg4[%add3A_15, %dma_wait3A_36] : memref<10000x128xf32, #tpu.memory_space<hbm>> -> memref<80x128xf32, #tpu.memory_space<hbm>>
        %dma_wait3A_38 = arith.constant 0 : i32
        %dma_wait3A_39 = tpu.memref_slice %arg4[%add3A_15, %dma_wait3A_38] : memref<10000x128xf32, #tpu.memory_space<hbm>> -> memref<80x128xf32, #tpu.memory_space<hbm>>
        tpu.wait_dma2 semaphore(%run_scoped3A : memref<!tpu.dma_semaphore, #tpu.memory_space<semaphore_mem>>) src(%arg11 : memref<80x128xf32, #tpu.memory_space<vmem>>) dst(%dma_wait3A_39 : memref<80x128xf32, #tpu.memory_space<hbm>>)
        tpu.yield
      }) : () -> ()
    } else {
    }
    %add3A_21 = arith.constant 240 : i32
    %add3A_22 = arith.addi %mul3A_2, %add3A_21 : i32
    %lt3A_23 = arith.constant 10000 : i32
    %lt3A_24 = arith.cmpi slt, %add3A_22, %lt3A_23 : i32
    %convert_element_type3A_25 = arith.extui %lt3A_24 : i1 to i32
    %cond3A_26 = arith.constant 0 : i32
    %cond3A_27 = arith.cmpi ne, %convert_element_type3A_25, %cond3A_26 : i32
    scf.if %cond3A_27 {
      "tpu.region"() ({
        %run_scoped3A = tpu.sem_alloc : memref<!tpu.dma_semaphore, #tpu.memory_space<semaphore_mem>>
        %dma_start3A_32 = tpu.memref_slice %arg2[%add3A_22] : memref<10000xi32, #tpu.memory_space<hbm>> -> memref<80xi32, #tpu.memory_space<hbm>>
        %dma_start3A_33 = tpu.memref_slice %arg2[%add3A_22] : memref<10000xi32, #tpu.memory_space<hbm>> -> memref<80xi32, #tpu.memory_space<hbm>>
        tpu.enqueue_dma source(%dma_start3A_33 : memref<80xi32, #tpu.memory_space<hbm>>) target(%arg8 : memref<80xi32, #tpu.memory_space<vmem>>) target_semaphore(%run_scoped3A : memref<!tpu.dma_semaphore, #tpu.memory_space<semaphore_mem>>)
        %dma_wait3A_34 = tpu.memref_slice %arg2[%add3A_22] : memref<10000xi32, #tpu.memory_space<hbm>> -> memref<80xi32, #tpu.memory_space<hbm>>
        %dma_wait3A_35 = tpu.memref_slice %arg2[%add3A_22] : memref<10000xi32, #tpu.memory_space<hbm>> -> memref<80xi32, #tpu.memory_space<hbm>>
        tpu.wait_dma2 semaphore(%run_scoped3A : memref<!tpu.dma_semaphore, #tpu.memory_space<semaphore_mem>>) src(%dma_wait3A_35 : memref<80xi32, #tpu.memory_space<hbm>>) dst(%arg8 : memref<80xi32, #tpu.memory_space<vmem>>)
        tpu.yield
      }) : () -> ()
      %dma_start3A = arith.constant 0 : i32
      %dma_start3A_28 = arith.constant 0 : i32
      %dma_start3A_29 = tpu.memref_slice %arg3[%dma_start3A, %dma_start3A_28] : memref<100x128xf32, #tpu.memory_space<hbm>> -> memref<100x128xf32, #tpu.memory_space<hbm>>
      tpu.enqueue_indirect_dma source(%dma_start3A_29 : memref<100x128xf32, #tpu.memory_space<hbm>>) target(%arg12 : memref<80x128xf32, #tpu.memory_space<vmem>>) offsets(%arg8 : memref<80xi32, #tpu.memory_space<vmem>>) semaphore(%arg13 : memref<!tpu.dma_semaphore, #tpu.memory_space<semaphore_mem>>)
      %dma_wait3A = arith.constant 0 : i32
      %dma_wait3A_30 = arith.constant 0 : i32
      %dma_wait3A_31 = tpu.memref_slice %arg3[%dma_wait3A, %dma_wait3A_30] : memref<100x128xf32, #tpu.memory_space<hbm>> -> memref<100x128xf32, #tpu.memory_space<hbm>>
      tpu.wait_indirect_dma semaphore(%arg13 : memref<!tpu.dma_semaphore, #tpu.memory_space<semaphore_mem>>) src(%dma_wait3A_31 : memref<100x128xf32, #tpu.memory_space<hbm>>) dst(%arg12 : memref<80x128xf32, #tpu.memory_space<vmem>>)
      "tpu.region"() ({
        %run_scoped3A = tpu.sem_alloc : memref<!tpu.dma_semaphore, #tpu.memory_space<semaphore_mem>>
        %dma_start3A_32 = arith.constant 0 : i32
        %dma_start3A_33 = tpu.memref_slice %arg4[%add3A_22, %dma_start3A_32] : memref<10000x128xf32, #tpu.memory_space<hbm>> -> memref<80x128xf32, #tpu.memory_space<hbm>>
        %dma_start3A_34 = arith.constant 0 : i32
        %dma_start3A_35 = tpu.memref_slice %arg4[%add3A_22, %dma_start3A_34] : memref<10000x128xf32, #tpu.memory_space<hbm>> -> memref<80x128xf32, #tpu.memory_space<hbm>>
        tpu.enqueue_dma source(%arg12 : memref<80x128xf32, #tpu.memory_space<vmem>>) target(%dma_start3A_35 : memref<80x128xf32, #tpu.memory_space<hbm>>) target_semaphore(%run_scoped3A : memref<!tpu.dma_semaphore, #tpu.memory_space<semaphore_mem>>)
        %dma_wait3A_36 = arith.constant 0 : i32
        %dma_wait3A_37 = tpu.memref_slice %arg4[%add3A_22, %dma_wait3A_36] : memref<10000x128xf32, #tpu.memory_space<hbm>> -> memref<80x128xf32, #tpu.memory_space<hbm>>
        %dma_wait3A_38 = arith.constant 0 : i32
        %dma_wait3A_39 = tpu.memref_slice %arg4[%add3A_22, %dma_wait3A_38] : memref<10000x128xf32, #tpu.memory_space<hbm>> -> memref<80x128xf32, #tpu.memory_space<hbm>>
        tpu.wait_dma2 semaphore(%run_scoped3A : memref<!tpu.dma_semaphore, #tpu.memory_space<semaphore_mem>>) src(%arg12 : memref<80x128xf32, #tpu.memory_space<vmem>>) dst(%dma_wait3A_39 : memref<80x128xf32, #tpu.memory_space<hbm>>)
        tpu.yield
      }) : () -> ()
    } else {
    }
    return
  }
}

module attributes {stable_mosaic.version = 14 : i64} {
  func.func @body(%arg0: i32, %arg1: memref<1x1x8000xf32, #tpu.memory_space<vmem>>, %arg2: memref<64x8000xf32, #tpu.memory_space<vmem>>, %arg3: memref<64x8000xf32, #tpu.memory_space<vmem>>, %arg4: memref<64x128xf32, #tpu.memory_space<vmem>>, %arg5: memref<8000x128xf32, #tpu.memory_space<vmem>>) attributes {dimension_semantics = [#tpu.dimension_semantics<arbitrary>], iteration_bounds = array<i64: 16>, scalar_prefetch = 0 : i64, scratch_operands = 0 : i64, tpu.core_type = #tpu.core_type<tc>, window_params = [{transform_indices = @transform_0, window_bounds = array<i64: 1, 1, 8000>}, {pipeline_mode = #tpu.pipeline_mode<synchronous>, transform_indices = @transform_1, window_bounds = array<i64: 64, 8000>}, {pipeline_mode = #tpu.pipeline_mode<synchronous>, transform_indices = @transform_2, window_bounds = array<i64: 64, 8000>}, {pipeline_mode = #tpu.pipeline_mode<synchronous>, transform_indices = @transform_3, window_bounds = array<i64: 64, 128>}, {transform_indices = @transform_4, window_bounds = array<i64: 8000, 128>}]} {
    %get3A = arith.constant 0 : index
    %get3A_0 = arith.constant 0 : index
    %get3A_1 = arith.constant 0 : index
    %get3A_2 = vector.load %arg1[%get3A, %get3A_0, %get3A_1] : memref<1x1x8000xf32, #tpu.memory_space<vmem>>, vector<1x1x8000xf32>
    %get3A_3 = vector.shape_cast %get3A_2 : vector<1x1x8000xf32> to vector<1x8000xf32>
    %sqrt3A = math.sqrt %get3A_3 : vector<1x8000xf32>
    %get3A_4 = arith.constant 0 : index
    %get3A_5 = arith.constant 0 : index
    %get3A_6 = vector.load %arg2[%get3A_4, %get3A_5] : memref<64x8000xf32, #tpu.memory_space<vmem>>, vector<64x8000xf32>
    %sub3A = vector.broadcast %sqrt3A : vector<1x8000xf32> to vector<64x8000xf32>
    %sub3A_7 = arith.subf %sub3A, %get3A_6 : vector<64x8000xf32>
    %mul3A = arith.mulf %sub3A_7, %sub3A_7 : vector<64x8000xf32>
    %get3A_8 = arith.constant 0 : index
    %get3A_9 = arith.constant 0 : index
    %get3A_10 = vector.load %arg3[%get3A_8, %get3A_9] : memref<64x8000xf32, #tpu.memory_space<vmem>>, vector<64x8000xf32>
    %mul3A_11 = arith.mulf %mul3A, %get3A_10 : vector<64x8000xf32>
    %exp3A = math.exp %mul3A_11 : vector<64x8000xf32>
    %get3A_12 = arith.constant 0 : index
    %get3A_13 = arith.constant 0 : index
    %get3A_14 = vector.load %arg4[%get3A_12, %get3A_13] : memref<64x128xf32, #tpu.memory_space<vmem>>, vector<64x128xf32>
    %dot_general3A = arith.constant dense<0.000000e+00> : vector<8000x128xf32>
    %dot_general3A_15 = tpu.matmul %exp3A, %get3A_14, %dot_general3A {dimension_numbers = #tpu.dot_dimension_numbers<[0], [0], [1], [1], [0, 1, 1, 1], [], []>, transpose_lhs_hint = false} : vector<64x8000xf32>, vector<64x128xf32>, vector<8000x128xf32> -> vector<8000x128xf32>
    %swap3A = arith.constant 0 : index
    %swap3A_16 = arith.constant 0 : index
    %swap3A_17 = vector.load %arg5[%swap3A, %swap3A_16] : memref<8000x128xf32, #tpu.memory_space<vmem>>, vector<8000x128xf32>
    tpu.vector_store %arg5[%swap3A, %swap3A_16], %dot_general3A_15 {strides = array<i32>} : memref<8000x128xf32, #tpu.memory_space<vmem>>, vector<8000x128xf32>,
    return
  }
  func.func @transform_0(%arg0: i32) -> (i32, i32, i32) {
    %c0_i32 = arith.constant 0 : i32
    %c0_i32_0 = arith.constant 0 : i32
    %c0_i32_1 = arith.constant 0 : i32
    return %arg0, %c0_i32, %c0_i32_0 : i32, i32, i32
  }
  func.func @transform_1(%arg0: i32) -> (i32, i32) {
    %c0_i32 = arith.constant 0 : i32
    %c0_i32_0 = arith.constant 0 : i32
    %c0_i32_1 = arith.constant 0 : i32
    return %c0_i32, %c0_i32_0 : i32, i32
  }
  func.func @transform_2(%arg0: i32) -> (i32, i32) {
    %c0_i32 = arith.constant 0 : i32
    %c0_i32_0 = arith.constant 0 : i32
    %c0_i32_1 = arith.constant 0 : i32
    return %c0_i32, %c0_i32_0 : i32, i32
  }
  func.func @transform_3(%arg0: i32) -> (i32, i32) {
    %c0_i32 = arith.constant 0 : i32
    %c0_i32_0 = arith.constant 0 : i32
    %c0_i32_1 = arith.constant 0 : i32
    return %c0_i32, %c0_i32_0 : i32, i32
  }
  func.func @transform_4(%arg0: i32) -> (i32, i32) {
    %add3A = arith.constant 0 : i32
    %add3A_0 = arith.addi %arg0, %add3A : i32
    %c0_i32 = arith.constant 0 : i32
    %c0_i32_1 = arith.constant 0 : i32
    return %add3A_0, %c0_i32 : i32, i32
  }
}

module attributes {stable_mosaic.version = 14 : i64} {
  func.func @body(%arg0: i32, %arg1: memref<320000x128xf32, #tpu.memory_space<any>>, %arg2: memref<1x1x8000xf32, #tpu.memory_space<vmem>>, %arg3: memref<64x8000xf32, #tpu.memory_space<vmem>>, %arg4: memref<64x8000xf32, #tpu.memory_space<vmem>>, %arg5: memref<64x128xf32, #tpu.memory_space<vmem>>, %arg6: memref<8000x128xf32, #tpu.memory_space<vmem>>) attributes {dimension_semantics = [#tpu.dimension_semantics<arbitrary>], iteration_bounds = array<i64: 24>, scalar_prefetch = 0 : i64, scratch_operands = 0 : i64, tpu.core_type = #tpu.core_type<tc>, window_params = [{}, {transform_indices = @transform_1, window_bounds = array<i64: 1, 1, 8000>}, {pipeline_mode = #tpu.pipeline_mode<synchronous>, transform_indices = @transform_2, window_bounds = array<i64: 64, 8000>}, {pipeline_mode = #tpu.pipeline_mode<synchronous>, transform_indices = @transform_3, window_bounds = array<i64: 64, 8000>}, {pipeline_mode = #tpu.pipeline_mode<synchronous>, transform_indices = @transform_4, window_bounds = array<i64: 64, 128>}, {transform_indices = @transform_5, window_bounds = array<i64: 8000, 128>}]} {
    %get3A = arith.constant 0 : index
    %get3A_0 = arith.constant 0 : index
    %get3A_1 = arith.constant 0 : index
    %get3A_2 = vector.load %arg2[%get3A, %get3A_0, %get3A_1] : memref<1x1x8000xf32, #tpu.memory_space<vmem>>, vector<1x1x8000xf32>
    %get3A_3 = vector.shape_cast %get3A_2 : vector<1x1x8000xf32> to vector<1x8000xf32>
    %sqrt3A = math.sqrt %get3A_3 : vector<1x8000xf32>
    %get3A_4 = arith.constant 0 : index
    %get3A_5 = arith.constant 0 : index
    %get3A_6 = vector.load %arg3[%get3A_4, %get3A_5] : memref<64x8000xf32, #tpu.memory_space<vmem>>, vector<64x8000xf32>
    %sub3A = vector.broadcast %sqrt3A : vector<1x8000xf32> to vector<64x8000xf32>
    %sub3A_7 = arith.subf %sub3A, %get3A_6 : vector<64x8000xf32>
    %mul3A = arith.mulf %sub3A_7, %sub3A_7 : vector<64x8000xf32>
    %get3A_8 = arith.constant 0 : index
    %get3A_9 = arith.constant 0 : index
    %get3A_10 = vector.load %arg4[%get3A_8, %get3A_9] : memref<64x8000xf32, #tpu.memory_space<vmem>>, vector<64x8000xf32>
    %mul3A_11 = arith.mulf %mul3A, %get3A_10 : vector<64x8000xf32>
    %exp3A = math.exp %mul3A_11 : vector<64x8000xf32>
    %get3A_12 = arith.constant 0 : index
    %get3A_13 = arith.constant 0 : index
    %get3A_14 = vector.load %arg5[%get3A_12, %get3A_13] : memref<64x128xf32, #tpu.memory_space<vmem>>, vector<64x128xf32>
    %dot_general3A = arith.constant dense<0.000000e+00> : vector<8000x128xf32>
    %dot_general3A_15 = tpu.matmul %exp3A, %get3A_14, %dot_general3A {dimension_numbers = #tpu.dot_dimension_numbers<[0], [0], [1], [1], [0, 1, 1, 1], [], []>, transpose_lhs_hint = false} : vector<64x8000xf32>, vector<64x128xf32>, vector<8000x128xf32> -> vector<8000x128xf32>
    %swap3A = arith.constant 0 : index
    %swap3A_16 = arith.constant 0 : index
    %swap3A_17 = vector.load %arg6[%swap3A, %swap3A_16] : memref<8000x128xf32, #tpu.memory_space<vmem>>, vector<8000x128xf32>
    tpu.vector_store %arg6[%swap3A, %swap3A_16], %dot_general3A_15 {strides = array<i32>} : memref<8000x128xf32, #tpu.memory_space<vmem>>, vector<8000x128xf32>,
    return
  }
  func.func @transform_1(%arg0: i32) -> (i32, i32, i32) {
    %c0_i32 = arith.constant 0 : i32
    %c0_i32_0 = arith.constant 0 : i32
    %c0_i32_1 = arith.constant 0 : i32
    return %arg0, %c0_i32, %c0_i32_0 : i32, i32, i32
  }
  func.func @transform_2(%arg0: i32) -> (i32, i32) {
    %c0_i32 = arith.constant 0 : i32
    %c0_i32_0 = arith.constant 0 : i32
    %c0_i32_1 = arith.constant 0 : i32
    return %c0_i32, %c0_i32_0 : i32, i32
  }
  func.func @transform_3(%arg0: i32) -> (i32, i32) {
    %c0_i32 = arith.constant 0 : i32
    %c0_i32_0 = arith.constant 0 : i32
    %c0_i32_1 = arith.constant 0 : i32
    return %c0_i32, %c0_i32_0 : i32, i32
  }
  func.func @transform_4(%arg0: i32) -> (i32, i32) {
    %c0_i32 = arith.constant 0 : i32
    %c0_i32_0 = arith.constant 0 : i32
    %c0_i32_1 = arith.constant 0 : i32
    return %c0_i32, %c0_i32_0 : i32, i32
  }
  func.func @transform_5(%arg0: i32) -> (i32, i32) {
    %add3A = arith.constant 16 : i32
    %add3A_0 = arith.addi %arg0, %add3A : i32
    %c0_i32 = arith.constant 0 : i32
    %c0_i32_1 = arith.constant 0 : i32
    return %add3A_0, %c0_i32 : i32, i32
  }
}

</mosaic_0001>

<sc_bundles>
// kernel: kernel.10.cloned.1.call-start
scs
__scs_entry_jumppad:
0x0: {  	(pc) =	sbr.rel $0x88, $3  }
0x1: {  	(tag) =	ssettag $0x0;
	lr =	simm.s32 $0x1  }
0x2: {  	[smem:$0x3F93] =	sst lr;
	_ =	strace $0xD0000000  }
0x3: {  	_ = 	snop  }
0x4: {  	_ = 	snop  }
0x5: {  	_ = 	snop  }
0x6: {  	_ = 	snop  }
0x7: {  	_ = 	snop  }
__scs_overlays_trampoline_lowered:
0x8: {  	[smem:$0x3FA2] =	sst s0  }
0x9: {  	[smem:$0x3FA3] =	sst s1  }
0xa: {  	[smem:$0x3FA4] =	sst s2  }
0xb: {  	[smem:$0x3FA5] =	sst s3  }
0xc: {  	[smem:$0x3FA6] =	sst s4  }
0xd: {  	[smem:$0x3FA7] =	sst s5  }
0xe: {  	[smem:$0x3FA8] =	sst s6  }
0xf: {  	[smem:$0x3FA9] =	sst s7  }
0x10: {  	[smem:$0x3FAA] =	sst s8  }
0x11: {  	[smem:$0x3FAB] =	sst s9;
	s0 =	simm.s32 @!p0 $0x0  }
0x12: {  	s1 =	sld [smem:$0x3F91];
	s0 =	simm.s32 @p0 $0x1  }
0x13: {  	[smem:$0x3FAC] =	sst s0;
	s0 =	simm.s32 @!p1 $0x0  }
0x14: {  	s2 =	sld [smem:$0x3F90];
	s0 =	simm.s32 @p1 $0x1  }
0x15: {  	[smem:$0x3FAD] =	sst s0;
	s0 =	simm.s32 @!p2 $0x0  }
0x16: {  	s3 =	sld [smem:$0x3FDB];
	s0 =	simm.s32 @p2 $0x1  }
0x17: {  	s4 =	simm.s32 $0x1BF5;
	[smem:$0x3FAF] =	sst s0  }
0x18: {  	s0 =	sld [smem:$0x3F92];
	_ =	swait.ge [sflag:s4], $0x0  }
0x19: {  	s7 =	sld [smem:$0x3F93]  }
0x1a: {  	s8 =	sadd.s32 $0xFFFFE003, lr  }
0x1b: {  	s9 =	sadd.s32 $0xFFFFFEF7, lr;
	s5 =	simm.s32 $0xFFFFFFFF;
	p2 =	slt.u32 s8, $0xFFFFF086  }
0x1c: {  	p1 =	slt.u32 s9, $0xF7A;
	s5 =	simm.s32 @!p2 $0x0  }
0x1d: {  	s5 =	simm.s32 @p1 $0x1;
	p0 =	seq.s32 s7, s2  }
0x1e: {  	s7 =	smul.u32 @!p0 $0xF7A, s2;
	p2 =	seq.s32 @!p0 s5, $0x0  }
0x1f: {  	s9 =	smul.u32 $0xF7A, s1;
	s8 =	simm.s32 @!p0 $0x1BF5;
	p2 =	por !p2, p0  }
0x20: {  	[sflag:s8] =	ssyncset.s32 @!p0 $0xFFFFF086;
	s6 =	sadd.s32 @!p0 s3, s7;
	s7 =	simm.s32 @!p0 $0x108  }
0x21: {  	s3 =	sadd.s32 s3, s9;
	s6 =	sadd.s32 @!p0 $0x88, s6;
	s7 =	simm.s32 @p2 $0x1082  }
0x22: {  	[simem:s7], [sflag:s8] =	dma.local @!p0 [hbm:s6], $0xF7A  }
0x23: {  	s9 =	sor.u32 $0xD0000000, s2;
	s6 =	simm.s32 $0x108;
	_ =	swait.ge @!p0 [sflag:s8], $0x0  }
0x24: {  	s3 =	sadd.s32 $0x88, s3;
	s6 =	simm.s32 @!p1 $0x1082;
	[sflag:s4] =	ssyncset.s32 $0xFFFFF086  }
0x25: {  	[simem:s6], [sflag:s4] =	dma.local [hbm:s3], $0xF7A  }
0x26: {  	[smem:$0x3F93] =	sst s1;
	(tag) =	ssettag s2;
	_ =	strace s9  }
0x27: {  	s1 =	sld [smem:$0x3FA3]  }
0x28: {  	s2 =	sld [smem:$0x3FA4]  }
0x29: {  	s4 =	sld [smem:$0x3FA6]  }
0x2a: {  	p0 =	seq.s32 s5, $0x0;
	s5 =	sld [smem:$0x3FA7]  }
0x2b: {  	s6 =	sld [smem:$0x3FA8]  }
0x2c: {  	s7 =	sld [smem:$0x3FA9]  }
0x2d: {  	s3 =	simm.s32 $0x108;
	s8 =	sld [smem:$0x3FAA]  }
0x2e: {  	s3 =	simm.s32 @!p0 $0x1082;
	s9 =	sld [smem:$0x3FAB]  }
0x2f: {  	lr =	sadd.s32 s0, s3;
	s0 =	sld [smem:$0x3FA2]  }
0x30: {  	s3 =	sld [smem:$0x3FA5]  }
0x31: {  	[smem:$0x3FAE] =	sst s10  }
0x32: {  	s10 =	sld [smem:$0x3FAC];
	_ =	sdelay $0x3  }
0x33: {  	p0 =	seq.s32 s10, $0x1;
	s10 =	sld [smem:$0x3FAE];
	_ =	sdelay $0x3  }
0x34: {  	[smem:$0x3FAE] =	sst s10  }
0x35: {  	s10 =	sld [smem:$0x3FAD];
	_ =	sdelay $0x3  }
0x36: {  	p1 =	seq.s32 s10, $0x1;
	s10 =	sld [smem:$0x3FAE];
	_ =	sdelay $0x3  }
0x37: {  	[smem:$0x3FAE] =	sst s10  }
0x38: {  	s10 =	sld [smem:$0x3FAF]  }
0x39: {  	_ = 	snop;
	(pc) =	sbr.ind lr, $3  }
0x3a: {  	_ = 	snop  }
0x3b: {  	_ = 	snop  }
0x3c: {  	p2 =	seq.s32 s10, $0x1;
	s10 =	sld [smem:$0x3FAE]  }
0x3d: {  	_ =	shalt  }
0x3e: {  	_ =	shalt  }
0x3f: {  	_ =	shalt  }
0x40: {  	_ =	shalt  }
0x41: {  	_ =	shalt  }
0x42: {  	_ =	shalt  }
0x43: {  	_ =	shalt  }
0x44: {  	_ =	shalt  }
0x45: {  	_ =	shalt  }
0x46: {  	_ =	shalt  }
0x47: {  	_ =	shalt  }
0x48: {  	_ =	shalt  }
0x49: {  	_ =	shalt  }
0x4a: {  	_ =	shalt  }
0x4b: {  	_ =	shalt  }
0x4c: {  	_ =	shalt  }
0x4d: {  	_ =	shalt  }
0x4e: {  	_ =	shalt  }
0x4f: {  	_ =	shalt  }
0x50: {  	_ =	shalt  }
0x51: {  	_ =	shalt  }
0x52: {  	_ =	shalt  }
0x53: {  	_ =	shalt  }
0x54: {  	_ =	shalt  }
0x55: {  	_ =	shalt  }
0x56: {  	_ =	shalt  }
0x57: {  	_ =	shalt  }
0x58: {  	_ =	shalt  }
0x59: {  	_ =	shalt  }
0x5a: {  	_ =	shalt  }
0x5b: {  	_ =	shalt  }
0x5c: {  	_ =	shalt  }
0x5d: {  	_ =	shalt  }
0x5e: {  	_ =	shalt  }
0x5f: {  	_ =	shalt  }
0x60: {  	_ =	shalt  }
0x61: {  	_ =	shalt  }
0x62: {  	_ =	shalt  }
0x63: {  	_ =	shalt  }
0x64: {  	_ =	shalt  }
0x65: {  	_ =	shalt  }
0x66: {  	_ =	shalt  }
0x67: {  	_ =	shalt  }
0x68: {  	_ =	shalt  }
0x69: {  	_ =	shalt  }
0x6a: {  	_ =	shalt  }
0x6b: {  	_ =	shalt  }
0x6c: {  	_ =	shalt  }
0x6d: {  	_ =	shalt  }
0x6e: {  	_ =	shalt  }
0x6f: {  	_ =	shalt  }
0x70: {  	_ =	shalt  }
0x71: {  	_ =	shalt  }
0x72: {  	_ =	shalt  }
0x73: {  	_ =	shalt  }
0x74: {  	_ =	shalt  }
0x75: {  	_ =	shalt  }
0x76: {  	_ =	shalt  }
0x77: {  	_ =	shalt  }
0x78: {  	_ =	shalt  }
0x79: {  	_ =	shalt  }
0x7a: {  	_ =	shalt  }
0x7b: {  	_ =	shalt  }
0x7c: {  	_ =	shalt  }
0x7d: {  	_ =	shalt  }
0x7e: {  	_ =	shalt  }
0x7f: {  	_ =	shalt  }
0x80: {  	_ =	shalt  }
0x81: {  	_ =	shalt  }
0x82: {  	_ =	shalt  }
0x83: {  	_ =	shalt  }
0x84: {  	_ =	shalt  }
0x85: {  	_ =	shalt  }
0x86: {  	_ =	shalt  }
0x87: {  	_ =	shalt  }
.Lfunc_end0:
.L_simem_size_0:
called_computation.1_lowered:
.L_overlay_start_0:
0x88: {  	s2 =	sld [smem:$0x3FD9]  }
0x89: {  	s3 =	sld [smem:$0x3FFE];
	_ =	sdelay $0x1  }
0x8a: {  	s1 =	srdreg.scid  }
0x8b: {  	s0 =	sand.u32 $0x1, s1  }
0x8c: {  	s15 =	sshll.u32 s0, $0xA;
	s2 =	sadd.s32 s3, s2  }
0x8d: {  	s2 =	sadd.s32 s2, s15  }
0x8e: {  	[smem:$0x3FBA] =	sst s2  }
0x8f: {  	_ = 	snop  }
0x90: {  	s7 =	sld [smem:$0x3FD0]  }
0x91: {  	s16 =	sld [smem:$0x3FC8]  }
0x92: {  	s4 =	sld [smem:$0x3FC7]  }
0x93: {  	s10 =	simm.s32 $0xC;
	s12 =	simm.s32 $0x10;
	s2 =	sld [smem:$0x3FC2]  }
0x94: {  	[smem:s12], [sflag:s10] =	dma.local [hbm:s7], $0x1  }
0x95: {  	_ =	swait.eq [sflag:s10], $0x1  }
0x96: {  	s5 =	sld [smem:$0x11]  }
0x97: {  	s6 =	sld [smem:$0x12]  }
0x98: {  	s8 =	sld [smem:$0x15];
	[sflag:s10] =	ssyncset.done $0x0  }
0x99: {  	s9 =	sld [smem:$0x16];
	[sflag:s10] =	ssyncadd.s32 $0xFFFFFFFF  }
0x9a: {  	s7 =	sadd.s32 $0x1, s7;
	s11 =	sld [smem:$0x17]  }
0x9b: {  	[smem:s12], [sflag:s10] =	dma.local [hbm:s7], $0x1  }
0x9c: {  	_ =	swait.eq [sflag:s10], $0x1  }
0x9d: {  	[sflag:s10] =	ssyncset.done $0x0  }
0x9e: {  	[sflag:s10] =	ssyncadd.s32 $0xFFFFFFFF  }
0x9f: {  	s17 =	sld [smem:$0x10];
	(tm) =	ssettm $0x1  }
0xa0: {  	s18 =	sld [smem:$0x3FFB];
	_ =	sdelay $0x3  }
0xa1: {  	_ =	strace s18  }
0xa2: {  	s7 =	sld [smem:$0x3FFC];
	_ =	sdelay $0x3  }
0xa3: {  	_ =	strace s7  }
0xa4: {  	s7 =	sld [smem:$0x3FFD];
	_ =	sdelay $0x3  }
0xa5: {  	_ =	strace s7  }
0xa6: {  	_ =	strace $0x8FFFFFFF  }
0xa7: {  	s19 =	sld [smem:$0x3FDB];
	_ =	sdelay $0x1  }
0xa8: {  	s20 =	simm.s32 $_scs_section_size  }
0xa9: {  	s13 =	simm.s32 $_size__tile_overlayer_lowered;
	s14 =	simm.s32 $_tile_overlayer_lowered  }
0xaa: {  	s22 =	simm.s32 $0x0;
	s21 =	sshll.u32 s14, $0x1;
	s12 =	sadd.s32 s20, s19  }
0xab: {  	s13 =	sshll.u32 s13, $0x1;
	s15 =	simm.s32 $0x1BFF;
	s14 =	sadd.s32 s21, s12  }
0xac: {  	[timem:s22], [sflag:s15] =	dma.local [hbm:s14], s13  }
0xad: {  	_ =	swait.ge [sflag:s15], s13  }
0xae: {  	s13 =	ssub.s32 $0x0, s13;
	[sflag:s15] =	ssyncset.done $0x0  }
0xaf: {  	[sflag:s15] =	ssyncadd.s32 s13;
	_ =	sdelay $0x1  }
0xb0: {  	s23 =	simm.s32 $0x1B8B  }
0xb1: {  	_ =	swait.ge [sflag:s23], $0x1  }
0xb2: {  	[sflag:s23] =	ssyncset.done $0x0  }
0xb3: {  	[sflag:s23] =	ssyncadd.s32 $0xFFFFFFFF  }
0xb4: {  	s13 =	sld [smem:$0x0]  }
0xb5: {  	s14 =	sand.u32 $0xFFFFFFFE, s1  }
0xb6: {  	p0 =	sne.s32 s1, s14  }
0xb7: {  	s14 =	sshll.u32 @p0 s14, $0xE  }
0xb8: {  	s14 =	sadd.s32 @p0 $0x11B8D, s14;
	s15 =	sshll.u32 @p0 s13, $0x11  }
0xb9: {  	s14 =	sor.u32 @p0 s15, s14  }
0xba: {  	[sflag:s14] =	ssyncadd.remote.s32 @p0 $0x1;
	_ =	sdelay $0x1  }
0xbb: {  	s14 =	simm.s32 @p0 $0x1B8D  }
0xbc: {  	_ =	swait.eq @p0 [sflag:s14], $0x1  }
0xbd: {  	[sflag:s14] =	ssyncadd.s32 @p0 $0xFFFFFFFF  }
0xbe: {  	s15 =	sshll.u32 @!p0 s1, $0xE  }
0xbf: {  	s15 =	sor.u32 @!p0 $0x4000, s15;
	s14 =	simm.s32 @!p0 $0x1B8D  }
0xc0: {  	s13 =	sshll.u32 @!p0 s13, $0x11;
	s15 =	sadd.s32 @!p0 $0x11B8D, s15;
	_ =	swait.eq @!p0 [sflag:s14], $0x1  }
0xc1: {  	s13 =	sor.u32 @!p0 s13, s15;
	[sflag:s14] =	ssyncadd.s32 @!p0 $0xFFFFFFFF  }
0xc2: {  	s25 =	simm.s32 $0x1B8E;
	s24 =	sld [smem:$0x3FFE];
	[sflag:s13] =	ssyncadd.remote.s32 @!p0 $0x1  }
0xc3: {  	s26 =	simm.s32 $execute0_lowered;
	[smem:$0x3FD2] =	sst s25  }
0xc4: {  	s14 =	sshll.u32 s26, $0x1;
	_ =	strace $0x80000049;
	[dreg:$0x1] =	wrdreg $0xFFFFFFFF  }
0xc5: {  	s28 =	simm.s32 $_size_execute0_lowered;
	s12 =	sadd.s32 s12, s14;
	[dreg:$0x0] =	wrdreg $0x0  }
0xc6: {  	s14 =	sshll.u32 s28, $0x1;
	[dreg:$0x2] =	wrdreg s12  }
0xc7: {  	[dreg:$0x3] =	wrdreg s14  }
0xc8: {  	[dreg:$0x4] =	wrdreg $0xC0  }
0xc9: {  	_ =	task [dreg:s22], $0x5FFFF  }
0xca: {  	[dreg:$0x1] =	wrdreg $0xFFFFFFFF  }
0xcb: {  	[dreg:$0x0] =	wrdreg $0x60  }
0xcc: {  	[dreg:$0x2] =	wrdreg s24  }
0xcd: {  	[dreg:$0x3] =	wrdreg s11  }
0xce: {  	[dreg:$0x4] =	wrdreg s8  }
0xcf: {  	[dreg:$0x5] =	wrdreg s9  }
0xd0: {  	[dreg:$0x6] =	wrdreg s16  }
0xd1: {  	[dreg:$0x7] =	wrdreg s4  }
0xd2: {  	[dreg:$0x8] =	wrdreg s5  }
0xd3: {  	[dreg:$0x9] =	wrdreg s6  }
0xd4: {  	[dreg:$0xa] =	wrdreg s17  }
0xd5: {  	[dreg:$0xb] =	wrdreg s2  }
0xd6: {  	[dreg:$0xc] =	wrdreg $0xA  }
0xd7: {  	_ =	task.clear_ibuf [dreg:s22], $0xDFFFF;
	_ =	strace $0x90000049  }
0xd8: {  	s29 =	simm.s32 $0xA;
	_ =	strace $0x8000004B  }
0xd9: {  	_ =	swait.ge [sflag:s29], $0x1  }
0xda: {  	[sflag:s29] =	ssyncadd.s32 $0xFFFFFFFF  }
0xdb: {  	_ =	strace $0x9000004B  }
0xdc: {  	_ =	sfence  }
0xdd: {  	s30 =	sld [smem:$0x0];
	_ =	sdelay $0x2  }
0xde: {  	s31 =	sshll.u32 s1, $0xD;
	s1 =	sshrl.u32 s1, $0x2  }
0xdf: {  	s3 =	sand.u32 $0x4000, s31;
	s1 =	sadd.s32 s1, s30  }
0xe0: {  	s0 =	sor.u32 s3, s0;
	s1 =	sshll.u32 s1, $0x11  }
0xe1: {  	s0 =	sor.u32 s1, s0  }
0xe2: {  	s0 =	sadd.s32 $0x8F2B, s0  }
0xe3: {  	[sflag:s0] =	ssyncadd.remote.s32 $0x1  }
0xe4: {  	_ =	sfence.sel $0xFFFF  }
0xe5: {  	[dreg:$0x0] =	wrdreg $0xFFFFFFFF;
	(pc) =	sbr.abs _section_cstart, $3  }
0xe6: {  	[dreg:$0x1] =	wrdreg $0xFFFFFFFF  }
0xe7: {  	_ =	task.clear_ibuf [dreg:s22], $0x2FFFF;
	_ =	strace $0x9FFFFFFF  }
0xe8: {  	(tm) =	ssettm $0x7FFFFFFF  }
0xe9: {  	_ =	shalt  }
tec
execute0_lowered:
.L_overlay_start_1:
0x0: {  	(tag) =	ssettag $0x1  }
0x1: {  	s0 =	rddreg [dreg:$0x0]  }
0x2: {  	s1 =	rddreg [dreg:$0x4]  }
0x3: {  	s2 =	rddreg [dreg:$0x5]  }
0x4: {  	s3 =	rddreg [dreg:$0x6]  }
0x5: {  	s4 =	rddreg [dreg:$0x7]  }
0x6: {  	s14 =	rddreg [dreg:$0x8];
	s5 =	srdreg.scid  }
0x7: {  	s6 =	stileid.u32;
	s11 =	rddreg [dreg:$0x9];
	s22 =	simm.s32 $0xED80  }
0x8: {  	s23 =	simm.s32 $0x2780;
	s24 =	simm.s32 $0x4F00;
	s25 =	simm.s32 $0x7680  }
0x9: {  	s26 =	simm.s32 $0x7700;
	s28 =	simm.s32 $0x7780;
	s29 =	simm.s32 $0x1  }
0xa: {  	s30 =	simm.s32 $0x10500;
	s9 =	sand.u32 $0x1, s5;
	s6 =	sshll.u32 s6, $0x1  }
0xb: {  	s31 =	simm.s32 $0x2;
	s5 =	simm.s32 $0x0;
	s6 =	sor.u32 s9, s6  }
0xc: {  	s7 =	sadd.s32 $0x600, s0;
	s9 =	ssub.s32 $0x2, s9;
	s10 =	smul.u32 $0x1770, s6  }
0xd: {  	s8 =	sadd.s32 $0x1200, s0;
	[smem:$0x7FF] =	sst s5;
	s12 =	sshrl.u32 s9, $0x1  }
0xe: {  	_ =	strace $0x8000004A;
	s16 =	ssub.s32 s9, s12;
	s10 =	sshrl.u32 s10, $0x3  }
0xf: {  	s6 =	sadd.s32 $0xC00, s0;
	s16 =	smax.u32 s16, $0x1;
	s15 =	sadd.s32 $0x3E80, s10  }
0x10: {  	s0 =	sadd.s32 s10, s0;
	s9 =	sadd.s32 s1, s15;
	s10 =	sadd.s32 s2, s15  }
0x11: {  	s11 =	sadd.s32 s11, s15;
	s12 =	sadd.s32 s3, s15;
	s13 =	sadd.s32 s4, s15  }
0x12: {  	s14 =	sadd.s32 s14, s15;
	s15 =	sadd.s32 $0x1400, s0;
	s4 =	simm.s32 $0x0  }
.LBB2_1:
0x13: {  	s0 =	simm.s32 $0x7800  }
0x14: {  	[tilespmem:s0], [sflag:$0x1] =	stream.linear.gather [hbm4b:s9+s5], $0x1770, $0x38;
	[tilespmem:$0x11C80] =	vst v63  }
0x15: {  	s2 =	simm.s32 $0x8F80  }
0x16: {  	[tilespmem:s2], [sflag:$0x1] =	stream.linear.gather [hbm4b:s10+s5], $0x1770, $0x38;
	[tilespmem:$0x11C80] =	vst v63  }
0x17: {  	s3 =	simm.s32 $0xA700  }
0x18: {  	[tilespmem:s3], [sflag:$0x1] =	stream.linear.gather [hbm4b:s11+s5], $0x1770, $0x38;
	[tilespmem:$0x11C80] =	vst v63  }
0x19: {  	s17 =	simm.s32 $0xBE80  }
0x1a: {  	[tilespmem:s17], [sflag:$0x1] =	stream.linear.gather [hbm4b:s12+s5], $0x1770, $0x38;
	[tilespmem:$0x11C80] =	vst v63  }
0x1b: {  	s18 =	simm.s32 $0xD600  }
0x1c: {  	[tilespmem:s18], [sflag:$0x1] =	stream.linear.gather [hbm4b:s13+s5], $0x1770, $0x38;
	[tilespmem:$0x11C80] =	vst v63  }
0x1d: {  	_ = 	snop  }
0x1e: {  	[tilespmem:s22], [sflag:$0x1] =	stream.linear.gather [hbm4b:s14+s5], $0x1770, $0x38;
	[tilespmem:$0x11C80] =	vst v63  }
0x1f: {  	_ = 	snop  }
0x20: {  	[tilespmem:s5], [sflag:$0x1] =	stream.linear.gather [hbm4b:s6+s5], $0x2780, $0x38;
	[tilespmem:$0x11C80] =	vst v63  }
0x21: {  	_ = 	snop  }
0x22: {  	[tilespmem:s23], [sflag:$0x1] =	stream.linear.gather [hbm4b:s7+s5], $0x2780, $0x38;
	[tilespmem:$0x11C80] =	vst v63  }
0x23: {  	s19 =	rddreg [dreg:$0x1]  }
0x24: {  	[tilespmem:s24], [sflag:$0x1] =	stream.linear.gather [hbm4b:s19+s5], $0x2780, $0x38;
	[tilespmem:$0x11C80] =	vst v63  }
0x25: {  	_ = 	snop  }
0x26: {  	[tilespmem:s25], [sflag:$0x1] =	stream.linear.gather [hbm4b:s8+s5], $0x80, $0x38;
	[tilespmem:$0x11C80] =	vst v63  }
0x27: {  	s20 =	rddreg [dreg:$0x2]  }
0x28: {  	[tilespmem:s26], [sflag:$0x1] =	stream.linear.gather [hbm4b:s20+s5], $0x80, $0x38;
	[tilespmem:$0x11C80] =	vst v63  }
0x29: {  	s21 =	rddreg [dreg:$0x3]  }
0x2a: {  	[tilespmem:s28], [sflag:$0x1] =	stream.linear.gather [hbm4b:s21+s5], $0x80, $0x38;
	[tilespmem:$0x11C80] =	vst v63  }
0x2b: {  	_ =	swait.ge [sflag:s29], $0x1770  }
0x2c: {  	[sflag:s29] =	ssyncset.done $0x0  }
0x2d: {  	[sflag:s29] =	ssyncadd.s32 $0xFFFFE890  }
0x2e: {  	_ =	swait.ge [sflag:s29], $0x1770  }
0x2f: {  	[sflag:s29] =	ssyncset.done $0x0  }
0x30: {  	[sflag:s29] =	ssyncadd.s32 $0xFFFFE890  }
0x31: {  	_ =	swait.ge [sflag:s29], $0x1770  }
0x32: {  	[sflag:s29] =	ssyncset.done $0x0  }
0x33: {  	[sflag:s29] =	ssyncadd.s32 $0xFFFFE890  }
0x34: {  	_ =	swait.ge [sflag:s29], $0x1770  }
0x35: {  	[sflag:s29] =	ssyncset.done $0x0  }
0x36: {  	[sflag:s29] =	ssyncadd.s32 $0xFFFFE890  }
0x37: {  	_ =	swait.ge [sflag:s29], $0x1770  }
0x38: {  	[sflag:s29] =	ssyncset.done $0x0  }
0x39: {  	[sflag:s29] =	ssyncadd.s32 $0xFFFFE890  }
0x3a: {  	_ =	swait.ge [sflag:s29], $0x1770  }
0x3b: {  	[sflag:s29] =	ssyncset.done $0x0  }
0x3c: {  	[sflag:s29] =	ssyncadd.s32 $0xFFFFE890  }
0x3d: {  	_ =	swait.ge [sflag:s29], $0x2780  }
0x3e: {  	[sflag:s29] =	ssyncset.done $0x0  }
0x3f: {  	[sflag:s29] =	ssyncadd.s32 $0xFFFFD880  }
0x40: {  	_ =	swait.ge [sflag:s29], $0x2780  }
0x41: {  	[sflag:s29] =	ssyncset.done $0x0  }
0x42: {  	[sflag:s29] =	ssyncadd.s32 $0xFFFFD880  }
0x43: {  	_ =	swait.ge [sflag:s29], $0x2780  }
0x44: {  	[sflag:s29] =	ssyncset.done $0x0  }
0x45: {  	[sflag:s29] =	ssyncadd.s32 $0xFFFFD880  }
0x46: {  	_ =	swait.ge [sflag:s29], $0x80  }
0x47: {  	[sflag:s29] =	ssyncset.done $0x0  }
0x48: {  	[sflag:s29] =	ssyncadd.s32 $0xFFFFFF80  }
0x49: {  	_ =	swait.ge [sflag:s29], $0x80  }
0x4a: {  	[sflag:s29] =	ssyncset.done $0x0  }
0x4b: {  	[sflag:s29] =	ssyncadd.s32 $0xFFFFFF80  }
0x4c: {  	_ =	swait.ge [sflag:s29], $0x80  }
0x4d: {  	[sflag:s29] =	ssyncset.done $0x0  }
0x4e: {  	s18 =	simm.s32 $0x7820;
	[sflag:s29] =	ssyncadd.s32 $0xFFFFFF80  }
0x4f: {  	v0 =	vld [tilespmem:s18+$0x10]  }
0x50: {  	v1 =	vld [tilespmem:s18+$0xFFFFFFF0]  }
0x51: {  	s3 =	simm.s32 $0x8FA0;
	v3 =	vld [tilespmem:s18+$0x0]  }
0x52: {  	v2 =	vld [tilespmem:s3+$0x10]  }
0x53: {  	s0 =	simm.s32 $0xA720;
	v4 =	vld [tilespmem:s3+$0xFFFFFFE0]  }
0x54: {  	s1 =	simm.s32 $0xBEA0;
	v5 =	vld [tilespmem:s0+$0x10]  }
0x55: {  	s2 =	simm.s32 $0xD620;
	v6 =	vld [tilespmem:s1+$0x10]  }
0x56: {  	s17 =	simm.s32 $0xEDA0;
	v7 =	vld [tilespmem:s2+$0x10]  }
0x57: {  	v14 =	vld [tilespmem:s17+$0x10]  }
0x58: {  	v15 =	vld [tilespmem:s0+$0xFFFFFFE0]  }
0x59: {  	v16 =	vld [tilespmem:s3+$0xFFFFFFF0]  }
0x5a: {  	v17 =	vld [tilespmem:s0+$0xFFFFFFF0]  }
0x5b: {  	v18 =	vld [tilespmem:s3+$0x0]  }
0x5c: {  	v19 =	vld [tilespmem:s0+$0x0]  }
0x5d: {  	v20 =	vld [tilespmem:s18+$0xFFFFFFE0]  }
0x5e: {  	v8 =	vld.idx.msk [tilespmem:v0+s24+$0x0], $0xffff  }
0x5f: {  	v9 =	vld.idx.msk [tilespmem:v0+s5+$0x0], $0xffff  }
0x60: {  	v0 =	vld.idx.msk [tilespmem:v0+s23+$0x0], $0xffff  }
0x61: {  	v10 =	vld.idx.msk [tilespmem:v2+s5+$0x0], $0xffff  }
0x62: {  	v11 =	vld.idx.msk [tilespmem:v2+s23+$0x0], $0xffff  }
0x63: {  	v12 =	vld.idx.msk [tilespmem:v5+s25+$0x0], $0xffff  }
0x64: {  	v13 =	vld.idx.msk [tilespmem:v5+s26+$0x0], $0xffff  }
0x65: {  	v2 =	vld.idx.msk [tilespmem:v2+s24+$0x0], $0xffff  }
0x66: {  	v5 =	vld.idx.msk [tilespmem:v5+s28+$0x0], $0xffff  }
0x67: {  	v21 =	vld.idx.msk [tilespmem:v4+s5+$0x0], $0xffff  }
0x68: {  	v22 =	vld.idx.msk [tilespmem:v4+s23+$0x0], $0xffff  }
0x69: {  	v23 =	vld.idx.msk [tilespmem:v15+s25+$0x0], $0xffff  }
0x6a: {  	v24 =	vld.idx.msk [tilespmem:v15+s26+$0x0], $0xffff  }
0x6b: {  	v25 =	vld.idx.msk [tilespmem:v1+s5+$0x0], $0xffff  }
0x6c: {  	v26 =	vld.idx.msk [tilespmem:v1+s23+$0x0], $0xffff  }
0x6d: {  	v27 =	vld.idx.msk [tilespmem:v16+s5+$0x0], $0xffff  }
0x6e: {  	v28 =	vld.idx.msk [tilespmem:v20+s5+$0x0], $0xffff  }
0x6f: {  	v29 =	vld.idx.msk [tilespmem:v20+s23+$0x0], $0xffff  }
0x70: {  	v30 =	vld.idx.msk [tilespmem:v16+s23+$0x0], $0xffff  }
0x71: {  	v31 =	vld.idx.msk [tilespmem:v17+s25+$0x0], $0xffff  }
0x72: {  	v32 =	vld.idx.msk [tilespmem:v17+s26+$0x0], $0xffff  }
0x73: {  	v33 =	vld.idx.msk [tilespmem:v3+s5+$0x0], $0xffff  }
0x74: {  	v34 =	vld.idx.msk [tilespmem:v3+s23+$0x0], $0xffff  }
0x75: {  	v35 =	vld.idx.msk [tilespmem:v18+s5+$0x0], $0xffff  }
0x76: {  	v20 =	vld.idx.msk [tilespmem:v20+s24+$0x0], $0xffff  }
0x77: {  	v9 =	vadd.f32 v10, v9;
	v10 =	vld.idx.msk [tilespmem:v18+s23+$0x0], $0xffff  }
0x78: {  	v0 =	vadd.f32 v11, v0;
	v11 =	vld.idx.msk [tilespmem:v19+s25+$0x0], $0xffff  }
0x79: {  	v6 =	vmul.f32 v6, v12;
	v7 =	vmul.f32 v7, v13;
	v2 =	vadd.f32 v2, v8;
	v8 =	vld.idx.msk [tilespmem:v19+s26+$0x0], $0xffff  }
0x7a: {  	v12 =	vld [tilespmem:s2+$0xFFFFFFF0]  }
0x7b: {  	v5 =	vmul.f32 v14, v5;
	v13 =	vld [tilespmem:s2+$0x0];
	v6 =	vadd.f32 v6, v9;
	v0 =	vadd.f32 v7, v0  }
0x7c: {  	v7 =	vld [tilespmem:s1+$0xFFFFFFE0]  }
0x7d: {  	v9 =	vld [tilespmem:s2+$0xFFFFFFE0];
	v2 =	vadd.f32 v5, v2;
	v5 =	vmul.f32 v6, v6;
	v0 =	vmul.f32 v0, v0  }
0x7e: {  	v6 =	vld [tilespmem:s1+$0xFFFFFFF0]  }
0x7f: {  	v21 =	vadd.f32 v21, v28;
	v0 =	vadd.f32 v0, v5;
	v5 =	vld [tilespmem:s1+$0x0]  }
0x80: {  	v4 =	vld.idx.msk [tilespmem:v4+s24+$0x0], $0xffff;
	v22 =	vadd.f32 v22, v29;
	v63 =	vadd.f32 v30, v26;
	v2 =	vmul.f32 v2, v2  }
0x81: {  	v1 =	vld.idx.msk [tilespmem:v1+s24+$0x0], $0xffff;
	v10 =	vadd.f32 v10, v34;
	v12 =	vmul.f32 v12, v32;
	v7 =	vmul.f32 v7, v23  }
0x82: {  	v16 =	vld.idx.msk [tilespmem:v16+s24+$0x0], $0xffff;
	v8 =	vmul.f32 v13, v8;
	v9 =	vmul.f32 v9, v24;
	v14 =	vadd.f32 v2, v0  }
0x83: {  	v0 =	vadd.f32 v27, v25;
	v2 =	vld.idx.msk [tilespmem:v15+s28+$0x0], $0xffff;
	v7 =	vadd.f32 v7, v21;
	v6 =	vmul.f32 v6, v31  }
0x84: {  	v15 =	vadd.f32 v35, v33;
	v9 =	vadd.f32 v9, v22;
	v11 =	vmul.f32 v5, v11;
	v5 =	vld.idx.msk [tilespmem:v17+s28+$0x0], $0xffff  }
0x85: {  	v13 =	vmul.f32 v7, v7;
	v6 =	vadd.f32 v6, v0;
	v7 =	vadd.f32 v12, v63;
	v0 =	vld.idx.msk [tilespmem:v3+s24+$0x0], $0xffff  }
0x86: {  	v8 =	vadd.f32 v8, v10;
	v3 =	vmul.f32 v9, v9;
	v9 =	vld.idx.msk [tilespmem:v18+s24+$0x0], $0xffff;
	v11 =	vadd.f32 v11, v15  }
0x87: {  	v10 =	vadd.f32 $9.999999960e-13, v14;
	v6 =	vmul.f32 v6, v6;
	v12 =	vmul.f32 v7, v7;
	v7 =	vld.idx.msk [tilespmem:v19+s28+$0x0], $0xffff  }
0x88: {  	v14 =	vmul.f32 v8, v8;
	v3 =	vadd.f32 v3, v13;
	v13 =	vmul.f32 v11, v11;
	v11 =	vld [tilespmem:s17+$0xFFFFFFE0]  }
0x89: {  	s19 =	simm.s32 $0x10520;
	v8 =	vadd.f32 v4, v20;
	v4 =	vadd.f32 v12, v6;
	v12 =	vld [tilespmem:s17+$0xFFFFFFF0]  }
0x8a: {  	s20 =	simm.s32 $0x0;
	s21 =	simm.s32 $0x7860;
	s18 =	simm.s32 $0x5D00;
	[tilespmem:s19+$0x10] =	vst v10;
	v10 =	vadd.f32 v16, v1;
	v6 =	vadd.f32 v14, v13;
	v13 =	vld [tilespmem:s17+$0x0]  }
.LBB2_2:
0x8b: {  	v14 =	vld [tilespmem:s21+$0x10]  }
0x8c: {  	v9 =	vadd.f32 v9, v0;
	v1 =	vld [tilespmem:s21+$0xFFFFFFF0]  }
0x8d: {  	s3 =	sadd.s32 $0x40, s3;
	v0 =	vld [tilespmem:s21+$0x0];
	v11 =	vmul.f32 v11, v2  }
0x8e: {  	v15 =	vld [tilespmem:s3+$0x10];
	v5 =	vmul.f32 v12, v5  }
0x8f: {  	s0 =	sadd.s32 $0x40, s0;
	v2 =	vld [tilespmem:s3+$0xFFFFFFE0];
	v8 =	vadd.f32 v11, v8;
	v7 =	vmul.f32 v13, v7  }
0x90: {  	s1 =	sadd.s32 $0x40, s1;
	v11 =	vld [tilespmem:s0+$0x10];
	v5 =	vadd.f32 v5, v10  }
0x91: {  	s20 =	sadd.s32 $0x4, s20;
	s2 =	sadd.s32 $0x40, s2;
	v10 =	vld [tilespmem:s1+$0x10];
	v8 =	vmul.f32 v8, v8;
	v7 =	vadd.f32 v7, v9  }
0x92: {  	p0 =	slt.u32 s20, $0x170;
	v9 =	vld [tilespmem:s2+$0x10];
	v5 =	vmul.f32 v5, v5  }
0x93: {  	v12 =	vld.idx.msk [tilespmem:v14+s24+$0x0], $0xffff;
	v3 =	vadd.f32 v8, v3;
	v7 =	vmul.f32 v7, v7  }
0x94: {  	v8 =	vld.idx.msk [tilespmem:v14+s5+$0x0], $0xffff;
	v4 =	vadd.f32 v5, v4  }
0x95: {  	v5 =	vld.idx.msk [tilespmem:v14+s23+$0x0], $0xffff;
	v3 =	vadd.f32 $9.999999960e-13, v3;
	v6 =	vadd.f32 v7, v6  }
0x96: {  	v7 =	vld.idx.msk [tilespmem:v15+s5+$0x0], $0xffff;
	v4 =	vadd.f32 $9.999999960e-13, v4  }
0x97: {  	v13 =	vld.idx.msk [tilespmem:v15+s23+$0x0], $0xffff;
	[tilespmem:s19+$0xFFFFFFE0] =	vst v3;
	v3 =	vadd.f32 $9.999999960e-13, v6  }
0x98: {  	v6 =	vld.idx.msk [tilespmem:v11+s25+$0x0], $0xffff;
	[tilespmem:s19+$0xFFFFFFF0] =	vst v4  }
0x99: {  	v4 =	vld.idx.msk [tilespmem:v11+s26+$0x0], $0xffff;
	[tilespmem:s19+$0x0] =	vst v3  }
0x9a: {  	v3 =	vld.idx.msk [tilespmem:v15+s24+$0x0], $0xffff  }
0x9b: {  	s17 =	sadd.s32 $0x40, s17;
	v11 =	vld.idx.msk [tilespmem:v11+s28+$0x0], $0xffff  }
0x9c: {  	v14 =	vld [tilespmem:s17+$0x10]  }
0x9d: {  	v15 =	vld [tilespmem:s0+$0xFFFFFFE0]  }
0x9e: {  	v7 =	vadd.f32 v7, v8;
	v16 =	vld [tilespmem:s3+$0xFFFFFFF0]  }
0x9f: {  	v5 =	vadd.f32 v13, v5;
	v6 =	vmul.f32 v10, v6;
	v4 =	vmul.f32 v9, v4;
	v8 =	vld [tilespmem:s0+$0xFFFFFFF0]  }
0xa0: {  	v3 =	vadd.f32 v3, v12;
	v9 =	vld [tilespmem:s3+$0x0]  }
0xa1: {  	v6 =	vadd.f32 v6, v7;
	v4 =	vadd.f32 v4, v5;
	v10 =	vld [tilespmem:s0+$0x0];
	v5 =	vmul.f32 v14, v11  }
0xa2: {  	v7 =	vld [tilespmem:s21+$0xFFFFFFE0]  }
0xa3: {  	v4 =	vmul.f32 v4, v4;
	v11 =	vld.idx.msk [tilespmem:v2+s5+$0x0], $0xffff;
	v3 =	vadd.f32 v5, v3;
	v5 =	vmul.f32 v6, v6  }
0xa4: {  	v6 =	vld.idx.msk [tilespmem:v2+s23+$0x0], $0xffff  }
0xa5: {  	v12 =	vld.idx.msk [tilespmem:v15+s25+$0x0], $0xffff;
	v4 =	vadd.f32 v4, v5;
	v3 =	vmul.f32 v3, v3  }
0xa6: {  	v5 =	vld.idx.msk [tilespmem:v15+s26+$0x0], $0xffff  }
0xa7: {  	v13 =	vld.idx.msk [tilespmem:v1+s5+$0x0], $0xffff;
	v3 =	vadd.f32 v3, v4  }
0xa8: {  	v4 =	vld.idx.msk [tilespmem:v1+s23+$0x0], $0xffff  }
0xa9: {  	v14 =	vld.idx.msk [tilespmem:v16+s5+$0x0], $0xffff;
	v3 =	vadd.f32 $9.999999960e-13, v3  }
0xaa: {  	s19 =	sadd.s32 $0x40, s19;
	v17 =	vld.idx.msk [tilespmem:v7+s5+$0x0], $0xffff  }
0xab: {  	v18 =	vld.idx.msk [tilespmem:v7+s23+$0x0], $0xffff;
	[tilespmem:s19+$0x10] =	vst v3  }
0xac: {  	v3 =	vld.idx.msk [tilespmem:v16+s23+$0x0], $0xffff  }
0xad: {  	v19 =	vld.idx.msk [tilespmem:v8+s25+$0x0], $0xffff  }
0xae: {  	v20 =	vld.idx.msk [tilespmem:v8+s26+$0x0], $0xffff  }
0xaf: {  	v13 =	vadd.f32 v14, v13;
	v14 =	vld.idx.msk [tilespmem:v0+s5+$0x0], $0xffff  }
0xb0: {  	v11 =	vadd.f32 v11, v17;
	v17 =	vld.idx.msk [tilespmem:v0+s23+$0x0], $0xffff  }
0xb1: {  	v6 =	vadd.f32 v6, v18;
	v18 =	vld.idx.msk [tilespmem:v9+s5+$0x0], $0xffff  }
0xb2: {  	v3 =	vadd.f32 v3, v4;
	v4 =	vld.idx.msk [tilespmem:v9+s23+$0x0], $0xffff  }
0xb3: {  	v21 =	vld.idx.msk [tilespmem:v10+s25+$0x0], $0xffff  }
0xb4: {  	v22 =	vld.idx.msk [tilespmem:v10+s26+$0x0], $0xffff  }
0xb5: {  	v23 =	vld [tilespmem:s1+$0xFFFFFFE0]  }
0xb6: {  	v24 =	vld [tilespmem:s2+$0xFFFFFFE0]  }
0xb7: {  	v14 =	vadd.f32 v18, v14;
	v25 =	vld [tilespmem:s1+$0xFFFFFFF0]  }
0xb8: {  	v4 =	vadd.f32 v4, v17;
	v18 =	vld [tilespmem:s2+$0xFFFFFFF0]  }
0xb9: {  	v17 =	vld [tilespmem:s1+$0x0]  }
0xba: {  	v12 =	vmul.f32 v23, v12;
	v23 =	vld [tilespmem:s2+$0x0]  }
0xbb: {  	v7 =	vld.idx.msk [tilespmem:v7+s24+$0x0], $0xffff;
	v5 =	vmul.f32 v24, v5  }
0xbc: {  	v24 =	vld.idx.msk [tilespmem:v2+s24+$0x0], $0xffff;
	v11 =	vadd.f32 v12, v11;
	v12 =	vmul.f32 v25, v19  }
0xbd: {  	v2 =	vld.idx.msk [tilespmem:v15+s28+$0x0], $0xffff;
	v5 =	vadd.f32 v5, v6;
	v6 =	vmul.f32 v18, v20  }
0xbe: {  	v11 =	vmul.f32 v11, v11;
	v1 =	vld.idx.msk [tilespmem:v1+s24+$0x0], $0xffff;
	v12 =	vadd.f32 v12, v13;
	v13 =	vmul.f32 v17, v21  }
0xbf: {  	v15 =	vmul.f32 v5, v5;
	v16 =	vld.idx.msk [tilespmem:v16+s24+$0x0], $0xffff;
	v6 =	vadd.f32 v6, v3;
	v17 =	vmul.f32 v23, v22  }
0xc0: {  	v5 =	vld.idx.msk [tilespmem:v8+s28+$0x0], $0xffff;
	v12 =	vmul.f32 v12, v12;
	v13 =	vadd.f32 v13, v14  }
0xc1: {  	v3 =	vadd.f32 v15, v11;
	v6 =	vmul.f32 v6, v6;
	v0 =	vld.idx.msk [tilespmem:v0+s24+$0x0], $0xffff;
	v11 =	vadd.f32 v17, v4  }
.Ltmp0:
0xc2: {  	v8 =	vadd.f32 v24, v7;
	v9 =	vld.idx.msk [tilespmem:v9+s24+$0x0], $0xffff;
	v13 =	vmul.f32 v13, v13;
	(pc) =	sbr.rel @p0 .LBB2_2-.Ltmp0, $4  }
0xc3: {  	v4 =	vadd.f32 v6, v12;
	v7 =	vld.idx.msk [tilespmem:v10+s28+$0x0], $0xffff;
	v6 =	vmul.f32 v11, v11  }
0xc4: {  	v11 =	vld [tilespmem:s17+$0xFFFFFFE0]  }
0xc5: {  	v10 =	vadd.f32 v16, v1;
	v12 =	vld [tilespmem:s17+$0xFFFFFFF0];
	v6 =	vadd.f32 v6, v13  }
0xc6: {  	s21 =	sadd.s32 $0x40, s21;
	v13 =	vld [tilespmem:s17+$0x0]  }
0xc7: {  	_ =	sdelay $0x1  }
0xc8: {  	v1 =	vmul.f32 v11, v2  }
0xc9: {  	v62 =	vmul.f32 v12, v5  }
0xca: {  	v0 =	vadd.f32 v9, v0;
	v1 =	vadd.f32 v1, v8;
	v63 =	vmul.f32 v13, v7  }
0xcb: {  	v2 =	vadd.f32 v62, v10  }
0xcc: {  	v1 =	vmul.f32 v1, v1;
	v0 =	vadd.f32 v63, v0  }
0xcd: {  	v2 =	vmul.f32 v2, v2  }
0xce: {  	v1 =	vadd.f32 v1, v3;
	v0 =	vmul.f32 v0, v0  }
0xcf: {  	v2 =	vadd.f32 v2, v4  }
0xd0: {  	v1 =	vadd.f32 $9.999999960e-13, v1;
	v0 =	vadd.f32 v0, v6  }
0xd1: {  	v2 =	vadd.f32 $9.999999960e-13, v2  }
0xd2: {  	[tilespmem:s19+$0xFFFFFFE0] =	vst v1;
	v0 =	vadd.f32 $9.999999960e-13, v0  }
0xd3: {  	[tilespmem:s19+$0xFFFFFFF0] =	vst v2  }
0xd4: {  	[tilespmem:s19+$0x0] =	vst v0  }
.LBB2_4:
0xd5: {  	s0 =	sshra.s32 s18, $0x2  }
0xd6: {  	v0 =	vld [tilespmem:s0+$0x7800];
	_ =	sdelay $0x2  }
0xd7: {  	v1 =	vld [tilespmem:s0+$0x8F80]  }
0xd8: {  	v2 =	vld [tilespmem:s0+$0xA700]  }
0xd9: {  	v9 =	vld [tilespmem:s0+$0xBE80]  }
0xda: {  	v10 =	vld [tilespmem:s0+$0xD600]  }
0xdb: {  	v11 =	vld [tilespmem:s0+$0xED80]  }
0xdc: {  	v3 =	vld.idx.msk [tilespmem:v0+s5+$0x0], $0xffff  }
0xdd: {  	v4 =	vld.idx.msk [tilespmem:v0+s23+$0x0], $0xffff  }
0xde: {  	v0 =	vld.idx.msk [tilespmem:v0+s24+$0x0], $0xffff  }
0xdf: {  	v5 =	vld.idx.msk [tilespmem:v1+s5+$0x0], $0xffff  }
0xe0: {  	v6 =	vld.idx.msk [tilespmem:v1+s23+$0x0], $0xffff  }
0xe1: {  	v7 =	vld.idx.msk [tilespmem:v2+s25+$0x0], $0xffff  }
0xe2: {  	v8 =	vld.idx.msk [tilespmem:v2+s26+$0x0], $0xffff  }
0xe3: {  	v1 =	vld.idx.msk [tilespmem:v1+s24+$0x0], $0xffff  }
0xe4: {  	v2 =	vld.idx.msk [tilespmem:v2+s28+$0x0], $0xffff;
	_ =	sdelay $0x1  }
0xe5: {  	v3 =	vadd.f32 v5, v3  }
0xe6: {  	v59 =	vmul.f32 v9, v7;
	v4 =	vadd.f32 v6, v4;
	v60 =	vmul.f32 v10, v8  }
0xe7: {  	v0 =	vadd.f32 v1, v0  }
0xe8: {  	v61 =	vmul.f32 v11, v2;
	v3 =	vadd.f32 v59, v3;
	v4 =	vadd.f32 v60, v4;
	_ =	sdelay $0x1  }
0xe9: {  	v0 =	vadd.f32 v61, v0;
	v62 =	vmul.f32 v3, v3;
	v63 =	vmul.f32 v4, v4;
	_ =	sdelay $0x1  }
0xea: {  	v0 =	vmul.f32 v0, v0;
	v1 =	vadd.f32 v63, v62  }
0xeb: {  	p0 =	sne.s32 s18, $0x5D80  }
.Ltmp1:
0xec: {  	v0 =	vadd.f32 v0, v1;
	(pc) =	sbr.rel @p0 .LBB2_4-.Ltmp1, $3  }
0xed: {  	_ = 	snop  }
0xee: {  	v0 =	vadd.f32 $9.999999960e-13, v0;
	_ =	sdelay $0x1  }
0xef: {  	s18 =	sadd.s32 $0x40, s18;
	[tilespmem:s0+$0x10500] =	vst v0  }
0xf0: {  	s4 =	sadd.s32 $0x1, s4  }
0xf1: {  	p0 =	sne.s32 s4, s16  }
.Ltmp2:
0xf2: {  	_ = 	snop;
	(pc) =	sbr.rel @p0 .LBB2_1-.Ltmp2, $4  }
0xf3: {  	[hbm4b:s15+s5] =	stream.linear.scatter [tilespmem:s30], [sflag:$0x2], $0x1770, $0x38;
	[tilespmem:$0x11C80] =	vst v63  }
0xf4: {  	_ =	swait.ge [sflag:s31], $0x1770  }
0xf5: {  	[sflag:s31] =	ssyncset.done $0x0  }
0xf6: {  	[sflag:s31] =	ssyncadd.s32 $0xFFFFE890  }
0xf7: {  	_ =	sfence.sel $0x180000  }
0xf8: {  	[bflag:$0x0] =	sbarrier.arrive $0xFFFF  }
0xf9: {  	_ =	strace $0x9000004A  }
0xfa: {  	s0 =	stileid.u32;
	[bflag:$0x2] =	sbarrier.arrive $0xFFFF  }
0xfb: {  	p0 =	sne.s32 s0, $0x0;
	s0 =	rddreg [dreg:$0xa]  }
0xfc: {  	s0 =	sadd.s32 @!p0 $0x100000, s0  }
0xfd: {  	[sflag:s0] =	ssyncadd.tile.s32 @!p0 $0x1;
	_ =	shalt  }
.Lfunc_end2:
_tile_overlayer_lowered:
.L_overlay_start_2:
0xfe: {  	(tag) =	ssettag $0x2  }
0xff: {  	s0 =	rddreg [dreg:$0x0];
	s2 =	stileid.u32  }
0x100: {  	s1 =	rddreg [dreg:$0x1];
	p0 =	sne.s32 s2, $0x0  }
0x101: {  	s3 =	rddreg [dreg:$0x2];
	[bflag:$0x3] =	sbarrier.arrive $0xFFFF;
	s2 =	simm.s32 @!p0 $0x1C03  }
0x102: {  	[timem:s3], [sflag:s2] =	dma.local @!p0 [hbm:s0], s1  }
0x103: {  	s0 =	simm.s32 @!p0 $0x3  }
0x104: {  	_ =	swait.ge @!p0 [sflag:s0], s1  }
0x105: {  	s1 =	ssub.s32 @!p0 $0x0, s1;
	[sflag:s0] =	ssyncset.done @!p0 $0x0  }
0x106: {  	[sflag:s0] =	ssyncadd.s32 @!p0 s1  }
0x107: {  	[bflag:$0x3] =	sbarrier.arrive $0xFFFF  }
0x108: {  	_ =	shalt  }

// kernel: kernel.13.cloned.1.call-start
scs
__scs_entry_jumppad:
0x0: {  	(pc) =	sbr.rel $0x88, $3  }
0x1: {  	(tag) =	ssettag $0x0;
	lr =	simm.s32 $0x1  }
0x2: {  	[smem:$0x3F93] =	sst lr;
	_ =	strace $0xD0000000  }
0x3: {  	_ = 	snop  }
0x4: {  	_ = 	snop  }
0x5: {  	_ = 	snop  }
0x6: {  	_ = 	snop  }
0x7: {  	_ = 	snop  }
__scs_overlays_trampoline_lowered:
0x8: {  	[smem:$0x3FA2] =	sst s0  }
0x9: {  	[smem:$0x3FA3] =	sst s1  }
0xa: {  	[smem:$0x3FA4] =	sst s2  }
0xb: {  	[smem:$0x3FA5] =	sst s3  }
0xc: {  	[smem:$0x3FA6] =	sst s4  }
0xd: {  	[smem:$0x3FA7] =	sst s5  }
0xe: {  	[smem:$0x3FA8] =	sst s6  }
0xf: {  	[smem:$0x3FA9] =	sst s7  }
0x10: {  	[smem:$0x3FAA] =	sst s8  }
0x11: {  	[smem:$0x3FAB] =	sst s9;
	s0 =	simm.s32 @!p0 $0x0  }
0x12: {  	s1 =	sld [smem:$0x3F91];
	s0 =	simm.s32 @p0 $0x1  }
0x13: {  	[smem:$0x3FAC] =	sst s0;
	s0 =	simm.s32 @!p1 $0x0  }
0x14: {  	s2 =	sld [smem:$0x3F90];
	s0 =	simm.s32 @p1 $0x1  }
0x15: {  	[smem:$0x3FAD] =	sst s0;
	s0 =	simm.s32 @!p2 $0x0  }
0x16: {  	s3 =	sld [smem:$0x3FDB];
	s0 =	simm.s32 @p2 $0x1  }
0x17: {  	s4 =	simm.s32 $0x1BF5;
	[smem:$0x3FAF] =	sst s0  }
0x18: {  	s0 =	sld [smem:$0x3F92];
	_ =	swait.ge [sflag:s4], $0x0  }
0x19: {  	s7 =	sld [smem:$0x3F93]  }
0x1a: {  	s8 =	sadd.s32 $0xFFFFE003, lr  }
0x1b: {  	s9 =	sadd.s32 $0xFFFFFEF7, lr;
	s5 =	simm.s32 $0xFFFFFFFF;
	p2 =	slt.u32 s8, $0xFFFFF086  }
0x1c: {  	p1 =	slt.u32 s9, $0xF7A;
	s5 =	simm.s32 @!p2 $0x0  }
0x1d: {  	s5 =	simm.s32 @p1 $0x1;
	p0 =	seq.s32 s7, s2  }
0x1e: {  	s7 =	smul.u32 @!p0 $0xF7A, s2;
	p2 =	seq.s32 @!p0 s5, $0x0  }
0x1f: {  	s9 =	smul.u32 $0xF7A, s1;
	s8 =	simm.s32 @!p0 $0x1BF5;
	p2 =	por !p2, p0  }
0x20: {  	[sflag:s8] =	ssyncset.s32 @!p0 $0xFFFFF086;
	s6 =	sadd.s32 @!p0 s3, s7;
	s7 =	simm.s32 @!p0 $0x108  }
0x21: {  	s3 =	sadd.s32 s3, s9;
	s6 =	sadd.s32 @!p0 $0x88, s6;
	s7 =	simm.s32 @p2 $0x1082  }
0x22: {  	[simem:s7], [sflag:s8] =	dma.local @!p0 [hbm:s6], $0xF7A  }
0x23: {  	s9 =	sor.u32 $0xD0000000, s2;
	s6 =	simm.s32 $0x108;
	_ =	swait.ge @!p0 [sflag:s8], $0x0  }
0x24: {  	s3 =	sadd.s32 $0x88, s3;
	s6 =	simm.s32 @!p1 $0x1082;
	[sflag:s4] =	ssyncset.s32 $0xFFFFF086  }
0x25: {  	[simem:s6], [sflag:s4] =	dma.local [hbm:s3], $0xF7A  }
0x26: {  	[smem:$0x3F93] =	sst s1;
	(tag) =	ssettag s2;
	_ =	strace s9  }
0x27: {  	s1 =	sld [smem:$0x3FA3]  }
0x28: {  	s2 =	sld [smem:$0x3FA4]  }
0x29: {  	s4 =	sld [smem:$0x3FA6]  }
0x2a: {  	p0 =	seq.s32 s5, $0x0;
	s5 =	sld [smem:$0x3FA7]  }
0x2b: {  	s6 =	sld [smem:$0x3FA8]  }
0x2c: {  	s7 =	sld [smem:$0x3FA9]  }
0x2d: {  	s3 =	simm.s32 $0x108;
	s8 =	sld [smem:$0x3FAA]  }
0x2e: {  	s3 =	simm.s32 @!p0 $0x1082;
	s9 =	sld [smem:$0x3FAB]  }
0x2f: {  	lr =	sadd.s32 s0, s3;
	s0 =	sld [smem:$0x3FA2]  }
0x30: {  	s3 =	sld [smem:$0x3FA5]  }
0x31: {  	[smem:$0x3FAE] =	sst s10  }
0x32: {  	s10 =	sld [smem:$0x3FAC];
	_ =	sdelay $0x3  }
0x33: {  	p0 =	seq.s32 s10, $0x1;
	s10 =	sld [smem:$0x3FAE];
	_ =	sdelay $0x3  }
0x34: {  	[smem:$0x3FAE] =	sst s10  }
0x35: {  	s10 =	sld [smem:$0x3FAD];
	_ =	sdelay $0x3  }
0x36: {  	p1 =	seq.s32 s10, $0x1;
	s10 =	sld [smem:$0x3FAE];
	_ =	sdelay $0x3  }
0x37: {  	[smem:$0x3FAE] =	sst s10  }
0x38: {  	s10 =	sld [smem:$0x3FAF]  }
0x39: {  	_ = 	snop;
	(pc) =	sbr.ind lr, $3  }
0x3a: {  	_ = 	snop  }
0x3b: {  	_ = 	snop  }
0x3c: {  	p2 =	seq.s32 s10, $0x1;
	s10 =	sld [smem:$0x3FAE]  }
0x3d: {  	_ =	shalt  }
0x3e: {  	_ =	shalt  }
0x3f: {  	_ =	shalt  }
0x40: {  	_ =	shalt  }
0x41: {  	_ =	shalt  }
0x42: {  	_ =	shalt  }
0x43: {  	_ =	shalt  }
0x44: {  	_ =	shalt  }
0x45: {  	_ =	shalt  }
0x46: {  	_ =	shalt  }
0x47: {  	_ =	shalt  }
0x48: {  	_ =	shalt  }
0x49: {  	_ =	shalt  }
0x4a: {  	_ =	shalt  }
0x4b: {  	_ =	shalt  }
0x4c: {  	_ =	shalt  }
0x4d: {  	_ =	shalt  }
0x4e: {  	_ =	shalt  }
0x4f: {  	_ =	shalt  }
0x50: {  	_ =	shalt  }
0x51: {  	_ =	shalt  }
0x52: {  	_ =	shalt  }
0x53: {  	_ =	shalt  }
0x54: {  	_ =	shalt  }
0x55: {  	_ =	shalt  }
0x56: {  	_ =	shalt  }
0x57: {  	_ =	shalt  }
0x58: {  	_ =	shalt  }
0x59: {  	_ =	shalt  }
0x5a: {  	_ =	shalt  }
0x5b: {  	_ =	shalt  }
0x5c: {  	_ =	shalt  }
0x5d: {  	_ =	shalt  }
0x5e: {  	_ =	shalt  }
0x5f: {  	_ =	shalt  }
0x60: {  	_ =	shalt  }
0x61: {  	_ =	shalt  }
0x62: {  	_ =	shalt  }
0x63: {  	_ =	shalt  }
0x64: {  	_ =	shalt  }
0x65: {  	_ =	shalt  }
0x66: {  	_ =	shalt  }
0x67: {  	_ =	shalt  }
0x68: {  	_ =	shalt  }
0x69: {  	_ =	shalt  }
0x6a: {  	_ =	shalt  }
0x6b: {  	_ =	shalt  }
0x6c: {  	_ =	shalt  }
0x6d: {  	_ =	shalt  }
0x6e: {  	_ =	shalt  }
0x6f: {  	_ =	shalt  }
0x70: {  	_ =	shalt  }
0x71: {  	_ =	shalt  }
0x72: {  	_ =	shalt  }
0x73: {  	_ =	shalt  }
0x74: {  	_ =	shalt  }
0x75: {  	_ =	shalt  }
0x76: {  	_ =	shalt  }
0x77: {  	_ =	shalt  }
0x78: {  	_ =	shalt  }
0x79: {  	_ =	shalt  }
0x7a: {  	_ =	shalt  }
0x7b: {  	_ =	shalt  }
0x7c: {  	_ =	shalt  }
0x7d: {  	_ =	shalt  }
0x7e: {  	_ =	shalt  }
0x7f: {  	_ =	shalt  }
0x80: {  	_ =	shalt  }
0x81: {  	_ =	shalt  }
0x82: {  	_ =	shalt  }
0x83: {  	_ =	shalt  }
0x84: {  	_ =	shalt  }
0x85: {  	_ =	shalt  }
0x86: {  	_ =	shalt  }
0x87: {  	_ =	shalt  }
.Lfunc_end0:
.L_simem_size_0:
called_computation.2_lowered:
.L_overlay_start_0:
0x88: {  	s2 =	sld [smem:$0x3FD9]  }
0x89: {  	s3 =	sld [smem:$0x3FFE];
	_ =	sdelay $0x1  }
0x8a: {  	s1 =	srdreg.scid  }
0x8b: {  	s0 =	sand.u32 $0x1, s1  }
0x8c: {  	s16 =	sshll.u32 s0, $0xA;
	s2 =	sadd.s32 s3, s2  }
0x8d: {  	s2 =	sadd.s32 s2, s16  }
0x8e: {  	[smem:$0x3FBA] =	sst s2  }
0x8f: {  	_ = 	snop  }
0x90: {  	s4 =	sld [smem:$0x3FD0];
	_ =	sdelay $0x1  }
0x91: {  	s2 =	sld [smem:$0x3FC4]  }
0x92: {  	s5 =	simm.s32 $0xC;
	s6 =	simm.s32 $0x10;
	s17 =	sld [smem:$0x3FBF]  }
0x93: {  	[smem:s6], [sflag:s5] =	dma.local [hbm:s4], $0x1  }
0x94: {  	_ =	swait.eq [sflag:s5], $0x1  }
0x95: {  	[sflag:s5] =	ssyncset.done $0x0  }
0x96: {  	[sflag:s5] =	ssyncadd.s32 $0xFFFFFFFF  }
0x97: {  	s18 =	sld [smem:$0x10];
	(tm) =	ssettm $0x1  }
0x98: {  	s19 =	sld [smem:$0x3FFB];
	_ =	sdelay $0x3  }
0x99: {  	_ =	strace s19  }
0x9a: {  	s4 =	sld [smem:$0x3FFC];
	_ =	sdelay $0x3  }
0x9b: {  	_ =	strace s4  }
0x9c: {  	s4 =	sld [smem:$0x3FFD];
	_ =	sdelay $0x3  }
0x9d: {  	_ =	strace s4  }
0x9e: {  	_ =	strace $0x8FFFFFFF  }
0x9f: {  	s20 =	sld [smem:$0x3FDB];
	_ =	sdelay $0x1  }
0xa0: {  	s21 =	simm.s32 $_scs_section_size  }
0xa1: {  	s7 =	simm.s32 $_size__tile_overlayer_lowered;
	s8 =	simm.s32 $_tile_overlayer_lowered  }
0xa2: {  	s9 =	simm.s32 $0x1BFF;
	s22 =	sshll.u32 s8, $0x1;
	s6 =	sadd.s32 s21, s20  }
0xa3: {  	s23 =	simm.s32 $0x0;
	s7 =	sshll.u32 s7, $0x1;
	s8 =	sadd.s32 s22, s6  }
0xa4: {  	[timem:s23], [sflag:s9] =	dma.local [hbm:s8], s7  }
0xa5: {  	_ =	swait.ge [sflag:s9], s7  }
0xa6: {  	s7 =	ssub.s32 $0x0, s7;
	[sflag:s9] =	ssyncset.done $0x0  }
0xa7: {  	[sflag:s9] =	ssyncadd.s32 s7;
	_ =	sdelay $0x1  }
0xa8: {  	s24 =	simm.s32 $0x1B8B  }
0xa9: {  	_ =	swait.ge [sflag:s24], $0x1  }
0xaa: {  	[sflag:s24] =	ssyncset.done $0x0  }
0xab: {  	[sflag:s24] =	ssyncadd.s32 $0xFFFFFFFF  }
0xac: {  	s7 =	sld [smem:$0x0]  }
0xad: {  	s8 =	sand.u32 $0xFFFFFFFE, s1  }
0xae: {  	p0 =	sne.s32 s1, s8  }
0xaf: {  	s8 =	sshll.u32 @p0 s8, $0xE  }
0xb0: {  	s8 =	sadd.s32 @p0 $0x11B8D, s8;
	s9 =	sshll.u32 @p0 s7, $0x11  }
0xb1: {  	s8 =	sor.u32 @p0 s9, s8  }
0xb2: {  	[sflag:s8] =	ssyncadd.remote.s32 @p0 $0x1;
	_ =	sdelay $0x1  }
0xb3: {  	s8 =	simm.s32 @p0 $0x1B8D  }
0xb4: {  	_ =	swait.eq @p0 [sflag:s8], $0x1  }
0xb5: {  	[sflag:s8] =	ssyncadd.s32 @p0 $0xFFFFFFFF  }
0xb6: {  	s9 =	sshll.u32 @!p0 s1, $0xE  }
0xb7: {  	s9 =	sor.u32 @!p0 $0x4000, s9;
	s8 =	simm.s32 @!p0 $0x1B8D  }
0xb8: {  	s7 =	sshll.u32 @!p0 s7, $0x11;
	s9 =	sadd.s32 @!p0 $0x11B8D, s9;
	_ =	swait.eq @!p0 [sflag:s8], $0x1  }
0xb9: {  	s7 =	sor.u32 @!p0 s7, s9;
	[sflag:s8] =	ssyncadd.s32 @!p0 $0xFFFFFFFF  }
0xba: {  	s25 =	simm.s32 $0x1B8E;
	[sflag:s7] =	ssyncadd.remote.s32 @!p0 $0x1  }
0xbb: {  	s26 =	simm.s32 $execute0_lowered;
	[smem:$0x3FD2] =	sst s25  }
0xbc: {  	s7 =	sshll.u32 s26, $0x1;
	_ =	strace $0x8000004C;
	[dreg:$0x1] =	wrdreg $0xFFFFFFFF  }
0xbd: {  	s28 =	simm.s32 $_size_execute0_lowered;
	s6 =	sadd.s32 s6, s7;
	[dreg:$0x0] =	wrdreg $0x0  }
0xbe: {  	s7 =	sshll.u32 s28, $0x1;
	[dreg:$0x2] =	wrdreg s6  }
0xbf: {  	[dreg:$0x3] =	wrdreg s7  }
0xc0: {  	[dreg:$0x4] =	wrdreg $0xC0  }
0xc1: {  	_ =	task [dreg:s23], $0x5FFFF  }
0xc2: {  	[dreg:$0x1] =	wrdreg $0xFFFFFFFF  }
0xc3: {  	[dreg:$0x0] =	wrdreg $0x60  }
0xc4: {  	[dreg:$0x2] =	wrdreg s2  }
0xc5: {  	[dreg:$0x3] =	wrdreg s17  }
0xc6: {  	[dreg:$0x4] =	wrdreg s18  }
0xc7: {  	[dreg:$0x5] =	wrdreg $0xB  }
0xc8: {  	_ =	task.clear_ibuf [dreg:s23], $0x6FFFF;
	_ =	strace $0x9000004C  }
0xc9: {  	s29 =	simm.s32 $0xB;
	_ =	strace $0x8000004E  }
0xca: {  	_ =	swait.ge [sflag:s29], $0x1  }
0xcb: {  	[sflag:s29] =	ssyncadd.s32 $0xFFFFFFFF  }
0xcc: {  	_ =	strace $0x9000004E  }
0xcd: {  	_ =	sfence  }
0xce: {  	s30 =	sld [smem:$0x0];
	_ =	sdelay $0x2  }
0xcf: {  	s31 =	sshll.u32 s1, $0xD;
	s1 =	sshrl.u32 s1, $0x2  }
0xd0: {  	s3 =	sand.u32 $0x4000, s31;
	s1 =	sadd.s32 s1, s30  }
0xd1: {  	s0 =	sor.u32 s3, s0;
	s1 =	sshll.u32 s1, $0x11  }
0xd2: {  	s0 =	sor.u32 s1, s0  }
0xd3: {  	s0 =	sadd.s32 $0x8F2B, s0  }
0xd4: {  	[sflag:s0] =	ssyncadd.remote.s32 $0x1  }
0xd5: {  	_ =	sfence.sel $0xFFFF  }
0xd6: {  	[dreg:$0x0] =	wrdreg $0xFFFFFFFF;
	(pc) =	sbr.abs _section_cstart, $3  }
0xd7: {  	[dreg:$0x1] =	wrdreg $0xFFFFFFFF  }
0xd8: {  	_ =	task.clear_ibuf [dreg:s23], $0x2FFFF;
	_ =	strace $0x9FFFFFFF  }
0xd9: {  	(tm) =	ssettm $0x7FFFFFFF  }
tec
execute0_lowered:
.L_overlay_start_1:
0x0: {  	(tag) =	ssettag $0x1  }
0x1: {  	s1 =	srdreg.scid;
	s0 =	stileid.u32  }
0x2: {  	s24 =	sand.u32 $0x1, s1;
	s31 =	sshll.u32 s0, $0x1  }
0x3: {  	s22 =	rddreg [dreg:$0x0];
	s10 =	sor.u32 s24, s31  }
0x4: {  	s2 =	rddreg [dreg:$0x1];
	s23 =	smul.u32 $0x140, s10  }
0x5: {  	s25 =	rddreg [dreg:$0x2];
	s3 =	simm.s32 $0x0  }
0x6: {  	s5 =	simm.s32 $0x2;
	[smem:$0x7FF] =	sst s3;
	s4 =	sshrl.u32 s23, $0x3  }
0x7: {  	s1 =	rddreg [dreg:$0x3];
	_ =	strace $0x8000004D;
	s4 =	sadd.s32 s22, s4  }
0x8: {  	[tilespmem:s3], [sflag:$0x2] =	stream.linear.gather [hbm4b:s4+s3], $0x50, $0x38;
	[tilespmem:$0xA200] =	vst v63  }
0x9: {  	_ =	swait.ge [sflag:s5], $0x50  }
0xa: {  	s6 =	simm.s32 $0x50;
	[sflag:s5] =	ssyncset.done $0x0  }
0xb: {  	s7 =	simm.s32 $0x200;
	s8 =	simm.s32 $0x1;
	[sflag:s5] =	ssyncadd.s32 $0xFFFFFFB0  }
0xc: {  	[tilespmem:s7], [sflag:$0x1] =	stream.indirect.gather [hbm4b:s2+s6], $0x80, s3, s6, $0xb8;
	[tilespmem:$0xA200] =	vst v63  }
0xd: {  	s9 =	smul.u32 $0x1400, s10;
	_ =	swait.ge [sflag:s8], $0x2800  }
0xe: {  	[sflag:s8] =	ssyncset.done $0x0  }
0xf: {  	p0 =	seq.s32 s10, $0x1F;
	s9 =	sadd.s32 s25, s9;
	[sflag:s8] =	ssyncadd.s32 $0xFFFFD800  }
0x10: {  	[hbm4b:s9+s3] =	stream.linear.scatter [tilespmem:s7], [sflag:$0x2], $0x2800, $0x38;
	[tilespmem:$0xA200] =	vst v63  }
0x11: {  	s10 =	simm.s32 @!p0 $0x2;
	s17 =	sadd.s32 $0x50, s23;
	_ =	swait.ge [sflag:s5], $0x2800  }
0x12: {  	s12 =	simm.s32 @!p0 $0x0;
	s11 =	sshrl.u32 s17, $0x3;
	[sflag:s5] =	ssyncset.done $0x0  }
0x13: {  	s13 =	simm.s32 @!p0 $0x80;
	s11 =	sadd.s32 s22, s11;
	[sflag:s5] =	ssyncadd.s32 $0xFFFFD800  }
0x14: {  	[tilespmem:s13], [sflag:$0x2] =	stream.linear.gather @!p0 [hbm4b:s11+s12], $0x50, $0x38;
	[tilespmem:$0xA200] =	vst v63  }
0x15: {  	_ =	swait.ge @!p0 [sflag:s10], $0x50  }
0x16: {  	s14 =	simm.s32 @!p0 $0x1;
	[sflag:s10] =	ssyncset.done @!p0 $0x0  }
0x17: {  	s15 =	simm.s32 @!p0 $0x50;
	s16 =	simm.s32 @!p0 $0x2A00;
	[sflag:s10] =	ssyncadd.s32 @!p0 $0xFFFFFFB0  }
0x18: {  	[tilespmem:s16], [sflag:$0x1] =	stream.indirect.gather @!p0 [hbm4b:s2+s15], $0x80, s13, s15, $0xb8;
	[tilespmem:$0xA200] =	vst v63  }
0x19: {  	_ =	swait.ge @!p0 [sflag:s14], $0x2800  }
0x1a: {  	s17 =	sshll.u32 s17, $0x4;
	[sflag:s14] =	ssyncset.done @!p0 $0x0  }
0x1b: {  	s17 =	sadd.s32 s25, s17;
	[sflag:s14] =	ssyncadd.s32 @!p0 $0xFFFFD800  }
0x1c: {  	[hbm4b:s17+s12] =	stream.linear.scatter @!p0 [tilespmem:s16], [sflag:$0x2], $0x2800, $0x38;
	[tilespmem:$0xA200] =	vst v63  }
0x1d: {  	s21 =	sadd.s32 $0xA0, s23;
	_ =	swait.ge @!p0 [sflag:s10], $0x2800  }
0x1e: {  	s18 =	sshrl.u32 s21, $0x3;
	[sflag:s10] =	ssyncset.done @!p0 $0x0  }
0x1f: {  	s19 =	simm.s32 @!p0 $0x100;
	s18 =	sadd.s32 s22, s18;
	[sflag:s10] =	ssyncadd.s32 @!p0 $0xFFFFD800  }
0x20: {  	[tilespmem:s19], [sflag:$0x2] =	stream.linear.gather @!p0 [hbm4b:s18+s12], $0x50, $0x38;
	[tilespmem:$0xA200] =	vst v63  }
0x21: {  	_ =	swait.ge @!p0 [sflag:s10], $0x50  }
0x22: {  	[sflag:s10] =	ssyncset.done @!p0 $0x0  }
0x23: {  	s20 =	simm.s32 @!p0 $0x5200;
	[sflag:s10] =	ssyncadd.s32 @!p0 $0xFFFFFFB0  }
0x24: {  	[tilespmem:s20], [sflag:$0x1] =	stream.indirect.gather @!p0 [hbm4b:s2+s15], $0x80, s19, s15, $0xb8;
	[tilespmem:$0xA200] =	vst v63  }
0x25: {  	_ =	swait.ge @!p0 [sflag:s14], $0x2800  }
0x26: {  	s21 =	sshll.u32 s21, $0x4;
	[sflag:s14] =	ssyncset.done @!p0 $0x0  }
0x27: {  	s21 =	sadd.s32 s25, s21;
	[sflag:s14] =	ssyncadd.s32 @!p0 $0xFFFFD800  }
0x28: {  	[hbm4b:s21+s12] =	stream.linear.scatter @!p0 [tilespmem:s20], [sflag:$0x2], $0x2800, $0x38;
	[tilespmem:$0xA200] =	vst v63  }
0x29: {  	s28 =	ssub.s32 $0x2, s24;
	s26 =	sadd.s32 $0xF0, s23;
	_ =	swait.ge @!p0 [sflag:s10], $0x2800  }
0x2a: {  	s29 =	sshrl.u32 s28, $0x1;
	s23 =	sshrl.u32 s26, $0x3;
	[sflag:s10] =	ssyncset.done @!p0 $0x0  }
0x2b: {  	s22 =	sadd.s32 s22, s23;
	s23 =	simm.s32 @!p0 $0x180;
	[sflag:s10] =	ssyncadd.s32 @!p0 $0xFFFFD800  }
0x2c: {  	[tilespmem:s23], [sflag:$0x2] =	stream.linear.gather @!p0 [hbm4b:s22+s12], $0x50, $0x38;
	[tilespmem:$0xA200] =	vst v63  }
0x2d: {  	s24 =	simm.s32 @!p0 $0x7A00;
	s28 =	ssub.s32 s28, s29;
	_ =	swait.ge @!p0 [sflag:s10], $0x50  }
0x2e: {  	s28 =	smax.u32 s28, $0x1;
	s26 =	sshll.u32 s26, $0x4;
	[sflag:s10] =	ssyncset.done @!p0 $0x0  }
0x2f: {  	s25 =	sadd.s32 s25, s26;
	s26 =	sadd.s32 $0xFFFFFFFF, s28;
	[sflag:s10] =	ssyncadd.s32 @!p0 $0xFFFFFFB0  }
0x30: {  	[tilespmem:s24], [sflag:$0x1] =	stream.indirect.gather @!p0 [hbm4b:s2+s15], $0x80, s23, s15, $0xb8;
	[tilespmem:$0xA200] =	vst v63  }
0x31: {  	p1 =	sne.s32 s26, $0x0;
	_ =	swait.ge @!p0 [sflag:s14], $0x2800  }
.Ltmp0:
0x32: {  	[sflag:s14] =	ssyncset.done @!p0 $0x0;
	(pc) =	sbr.rel @!p1 .LBB2_2-.Ltmp0, $4  }
0x33: {  	[sflag:s14] =	ssyncadd.s32 @!p0 $0xFFFFD800  }
0x34: {  	[hbm4b:s25+s12] =	stream.linear.scatter @!p0 [tilespmem:s24], [sflag:$0x2], $0x2800, $0x38;
	[tilespmem:$0xA200] =	vst v63  }
0x35: {  	_ =	swait.ge @!p0 [sflag:s10], $0x2800  }
0x36: {  	[sflag:s10] =	ssyncset.done @!p0 $0x0  }
.LBB2_1:
0x37: {  	s26 =	sadd.s32 $0xFFFFFFFF, s26;
	[sflag:s10] =	ssyncadd.s32 @!p0 $0xFFFFD800  }
0x38: {  	[tilespmem:s3], [sflag:$0x2] =	stream.linear.gather [hbm4b:s4+s3], $0x50, $0x38;
	[tilespmem:$0xA200] =	vst v63  }
0x39: {  	p1 =	sne.s32 s26, $0x0;
	_ =	swait.ge [sflag:s5], $0x50  }
0x3a: {  	[sflag:s5] =	ssyncset.done $0x0  }
0x3b: {  	[sflag:s5] =	ssyncadd.s32 $0xFFFFFFB0  }
0x3c: {  	[tilespmem:s7], [sflag:$0x1] =	stream.indirect.gather [hbm4b:s2+s6], $0x80, s3, s6, $0xb8;
	[tilespmem:$0xA200] =	vst v63  }
0x3d: {  	_ =	swait.ge [sflag:s8], $0x2800  }
0x3e: {  	[sflag:s8] =	ssyncset.done $0x0  }
0x3f: {  	[sflag:s8] =	ssyncadd.s32 $0xFFFFD800  }
0x40: {  	[hbm4b:s9+s3] =	stream.linear.scatter [tilespmem:s7], [sflag:$0x2], $0x2800, $0x38;
	[tilespmem:$0xA200] =	vst v63  }
0x41: {  	_ =	swait.ge [sflag:s5], $0x2800  }
0x42: {  	[sflag:s5] =	ssyncset.done $0x0  }
0x43: {  	[sflag:s5] =	ssyncadd.s32 $0xFFFFD800  }
0x44: {  	[tilespmem:s13], [sflag:$0x2] =	stream.linear.gather @!p0 [hbm4b:s11+s12], $0x50, $0x38;
	[tilespmem:$0xA200] =	vst v63  }
0x45: {  	_ =	swait.ge @!p0 [sflag:s10], $0x50  }
0x46: {  	[sflag:s10] =	ssyncset.done @!p0 $0x0  }
0x47: {  	[sflag:s10] =	ssyncadd.s32 @!p0 $0xFFFFFFB0  }
0x48: {  	[tilespmem:s16], [sflag:$0x1] =	stream.indirect.gather @!p0 [hbm4b:s2+s15], $0x80, s13, s15, $0xb8;
	[tilespmem:$0xA200] =	vst v63  }
0x49: {  	_ =	swait.ge @!p0 [sflag:s14], $0x2800  }
0x4a: {  	[sflag:s14] =	ssyncset.done @!p0 $0x0  }
0x4b: {  	[sflag:s14] =	ssyncadd.s32 @!p0 $0xFFFFD800  }
0x4c: {  	[hbm4b:s17+s12] =	stream.linear.scatter @!p0 [tilespmem:s16], [sflag:$0x2], $0x2800, $0x38;
	[tilespmem:$0xA200] =	vst v63  }
0x4d: {  	_ =	swait.ge @!p0 [sflag:s10], $0x2800  }
0x4e: {  	[sflag:s10] =	ssyncset.done @!p0 $0x0  }
0x4f: {  	[sflag:s10] =	ssyncadd.s32 @!p0 $0xFFFFD800  }
0x50: {  	[tilespmem:s19], [sflag:$0x2] =	stream.linear.gather @!p0 [hbm4b:s18+s12], $0x50, $0x38;
	[tilespmem:$0xA200] =	vst v63  }
0x51: {  	_ =	swait.ge @!p0 [sflag:s10], $0x50  }
0x52: {  	[sflag:s10] =	ssyncset.done @!p0 $0x0  }
0x53: {  	[sflag:s10] =	ssyncadd.s32 @!p0 $0xFFFFFFB0  }
0x54: {  	[tilespmem:s20], [sflag:$0x1] =	stream.indirect.gather @!p0 [hbm4b:s2+s15], $0x80, s19, s15, $0xb8;
	[tilespmem:$0xA200] =	vst v63  }
0x55: {  	_ =	swait.ge @!p0 [sflag:s14], $0x2800  }
0x56: {  	[sflag:s14] =	ssyncset.done @!p0 $0x0  }
0x57: {  	[sflag:s14] =	ssyncadd.s32 @!p0 $0xFFFFD800  }
0x58: {  	[hbm4b:s21+s12] =	stream.linear.scatter @!p0 [tilespmem:s20], [sflag:$0x2], $0x2800, $0x38;
	[tilespmem:$0xA200] =	vst v63  }
0x59: {  	_ =	swait.ge @!p0 [sflag:s10], $0x2800  }
0x5a: {  	[sflag:s10] =	ssyncset.done @!p0 $0x0  }
0x5b: {  	[sflag:s10] =	ssyncadd.s32 @!p0 $0xFFFFD800  }
0x5c: {  	[tilespmem:s23], [sflag:$0x2] =	stream.linear.gather @!p0 [hbm4b:s22+s12], $0x50, $0x38;
	[tilespmem:$0xA200] =	vst v63  }
0x5d: {  	_ =	swait.ge @!p0 [sflag:s10], $0x50  }
0x5e: {  	[sflag:s10] =	ssyncset.done @!p0 $0x0  }
0x5f: {  	[sflag:s10] =	ssyncadd.s32 @!p0 $0xFFFFFFB0  }
0x60: {  	[tilespmem:s24], [sflag:$0x1] =	stream.indirect.gather @!p0 [hbm4b:s2+s15], $0x80, s23, s15, $0xb8;
	[tilespmem:$0xA200] =	vst v63  }
0x61: {  	_ =	swait.ge @!p0 [sflag:s14], $0x2800  }
.Ltmp1:
0x62: {  	[sflag:s14] =	ssyncset.done @!p0 $0x0;
	(pc) =	sbr.rel @p1 .LBB2_1-.Ltmp1, $4  }
0x63: {  	[sflag:s14] =	ssyncadd.s32 @!p0 $0xFFFFD800  }
0x64: {  	[hbm4b:s25+s12] =	stream.linear.scatter @!p0 [tilespmem:s24], [sflag:$0x2], $0x2800, $0x38;
	[tilespmem:$0xA200] =	vst v63  }
0x65: {  	_ =	swait.ge @!p0 [sflag:s10], $0x2800  }
0x66: {  	[sflag:s10] =	ssyncset.done @!p0 $0x0  }
.LBB2_2:
0x67: {  	[sflag:s10] =	ssyncadd.s32 @!p0 $0xFFFFD800  }
0x68: {  	_ =	sfence.sel $0x180000  }
0x69: {  	[bflag:$0x0] =	sbarrier.arrive $0xFFFF  }
0x6a: {  	p0 =	sne.s32 s0, $0x0;
	_ =	strace $0x9000004D  }
0x6b: {  	s0 =	sadd.s32 @!p0 $0x100000, s1;
	[bflag:$0x2] =	sbarrier.arrive $0xFFFF  }
0x6c: {  	[sflag:s0] =	ssyncadd.tile.s32 @!p0 $0x1;
	_ =	shalt  }
.Lfunc_end2:
_tile_overlayer_lowered:
.L_overlay_start_2:
0x6d: {  	(tag) =	ssettag $0x2  }
0x6e: {  	s0 =	rddreg [dreg:$0x0];
	s2 =	stileid.u32  }
0x6f: {  	s1 =	rddreg [dreg:$0x1];
	p0 =	sne.s32 s2, $0x0  }
0x70: {  	s3 =	rddreg [dreg:$0x2];
	[bflag:$0x3] =	sbarrier.arrive $0xFFFF;
	s2 =	simm.s32 @!p0 $0x1C02  }
0x71: {  	[timem:s3], [sflag:s2] =	dma.local @!p0 [hbm:s0], s1  }
0x72: {  	s0 =	simm.s32 @!p0 $0x2  }
0x73: {  	_ =	swait.ge @!p0 [sflag:s0], s1  }
0x74: {  	s1 =	ssub.s32 @!p0 $0x0, s1;
	[sflag:s0] =	ssyncset.done @!p0 $0x0  }
0x75: {  	[sflag:s0] =	ssyncadd.s32 @!p0 s1  }
0x76: {  	[bflag:$0x3] =	sbarrier.arrive $0xFFFF  }
0x77: {  	_ =	shalt  }

// kernel: kernel.7.cloned.1.call-start
scs
__scs_entry_jumppad:
0x0: {  	(pc) =	sbr.rel $0x88, $3  }
0x1: {  	(tag) =	ssettag $0x0;
	lr =	simm.s32 $0x1  }
0x2: {  	[smem:$0x3F93] =	sst lr;
	_ =	strace $0xD0000000  }
0x3: {  	_ = 	snop  }
0x4: {  	_ = 	snop  }
0x5: {  	_ = 	snop  }
0x6: {  	_ = 	snop  }
0x7: {  	_ = 	snop  }
__scs_overlays_trampoline_lowered:
0x8: {  	[smem:$0x3FA2] =	sst s0  }
0x9: {  	[smem:$0x3FA3] =	sst s1  }
0xa: {  	[smem:$0x3FA4] =	sst s2  }
0xb: {  	[smem:$0x3FA5] =	sst s3  }
0xc: {  	[smem:$0x3FA6] =	sst s4  }
0xd: {  	[smem:$0x3FA7] =	sst s5  }
0xe: {  	[smem:$0x3FA8] =	sst s6  }
0xf: {  	[smem:$0x3FA9] =	sst s7  }
0x10: {  	[smem:$0x3FAA] =	sst s8  }
0x11: {  	[smem:$0x3FAB] =	sst s9;
	s0 =	simm.s32 @!p0 $0x0  }
0x12: {  	s1 =	sld [smem:$0x3F91];
	s0 =	simm.s32 @p0 $0x1  }
0x13: {  	[smem:$0x3FAC] =	sst s0;
	s0 =	simm.s32 @!p1 $0x0  }
0x14: {  	s2 =	sld [smem:$0x3F90];
	s0 =	simm.s32 @p1 $0x1  }
0x15: {  	[smem:$0x3FAD] =	sst s0;
	s0 =	simm.s32 @!p2 $0x0  }
0x16: {  	s3 =	sld [smem:$0x3FDB];
	s0 =	simm.s32 @p2 $0x1  }
0x17: {  	s4 =	simm.s32 $0x1BF5;
	[smem:$0x3FAF] =	sst s0  }
0x18: {  	s0 =	sld [smem:$0x3F92];
	_ =	swait.ge [sflag:s4], $0x0  }
0x19: {  	s7 =	sld [smem:$0x3F93]  }
0x1a: {  	s8 =	sadd.s32 $0xFFFFE003, lr  }
0x1b: {  	s9 =	sadd.s32 $0xFFFFFEF7, lr;
	s5 =	simm.s32 $0xFFFFFFFF;
	p2 =	slt.u32 s8, $0xFFFFF086  }
0x1c: {  	p1 =	slt.u32 s9, $0xF7A;
	s5 =	simm.s32 @!p2 $0x0  }
0x1d: {  	s5 =	simm.s32 @p1 $0x1;
	p0 =	seq.s32 s7, s2  }
0x1e: {  	s7 =	smul.u32 @!p0 $0xF7A, s2;
	p2 =	seq.s32 @!p0 s5, $0x0  }
0x1f: {  	s9 =	smul.u32 $0xF7A, s1;
	s8 =	simm.s32 @!p0 $0x1BF5;
	p2 =	por !p2, p0  }
0x20: {  	[sflag:s8] =	ssyncset.s32 @!p0 $0xFFFFF086;
	s6 =	sadd.s32 @!p0 s3, s7;
	s7 =	simm.s32 @!p0 $0x108  }
0x21: {  	s3 =	sadd.s32 s3, s9;
	s6 =	sadd.s32 @!p0 $0x88, s6;
	s7 =	simm.s32 @p2 $0x1082  }
0x22: {  	[simem:s7], [sflag:s8] =	dma.local @!p0 [hbm:s6], $0xF7A  }
0x23: {  	s9 =	sor.u32 $0xD0000000, s2;
	s6 =	simm.s32 $0x108;
	_ =	swait.ge @!p0 [sflag:s8], $0x0  }
0x24: {  	s3 =	sadd.s32 $0x88, s3;
	s6 =	simm.s32 @!p1 $0x1082;
	[sflag:s4] =	ssyncset.s32 $0xFFFFF086  }
0x25: {  	[simem:s6], [sflag:s4] =	dma.local [hbm:s3], $0xF7A  }
0x26: {  	[smem:$0x3F93] =	sst s1;
	(tag) =	ssettag s2;
	_ =	strace s9  }
0x27: {  	s1 =	sld [smem:$0x3FA3]  }
0x28: {  	s2 =	sld [smem:$0x3FA4]  }
0x29: {  	s4 =	sld [smem:$0x3FA6]  }
0x2a: {  	p0 =	seq.s32 s5, $0x0;
	s5 =	sld [smem:$0x3FA7]  }
0x2b: {  	s6 =	sld [smem:$0x3FA8]  }
0x2c: {  	s7 =	sld [smem:$0x3FA9]  }
0x2d: {  	s3 =	simm.s32 $0x108;
	s8 =	sld [smem:$0x3FAA]  }
0x2e: {  	s3 =	simm.s32 @!p0 $0x1082;
	s9 =	sld [smem:$0x3FAB]  }
0x2f: {  	lr =	sadd.s32 s0, s3;
	s0 =	sld [smem:$0x3FA2]  }
0x30: {  	s3 =	sld [smem:$0x3FA5]  }
0x31: {  	[smem:$0x3FAE] =	sst s10  }
0x32: {  	s10 =	sld [smem:$0x3FAC];
	_ =	sdelay $0x3  }
0x33: {  	p0 =	seq.s32 s10, $0x1;
	s10 =	sld [smem:$0x3FAE];
	_ =	sdelay $0x3  }
0x34: {  	[smem:$0x3FAE] =	sst s10  }
0x35: {  	s10 =	sld [smem:$0x3FAD];
	_ =	sdelay $0x3  }
0x36: {  	p1 =	seq.s32 s10, $0x1;
	s10 =	sld [smem:$0x3FAE];
	_ =	sdelay $0x3  }
0x37: {  	[smem:$0x3FAE] =	sst s10  }
0x38: {  	s10 =	sld [smem:$0x3FAF]  }
0x39: {  	_ = 	snop;
	(pc) =	sbr.ind lr, $3  }
0x3a: {  	_ = 	snop  }
0x3b: {  	_ = 	snop  }
0x3c: {  	p2 =	seq.s32 s10, $0x1;
	s10 =	sld [smem:$0x3FAE]  }
0x3d: {  	_ =	shalt  }
0x3e: {  	_ =	shalt  }
0x3f: {  	_ =	shalt  }
0x40: {  	_ =	shalt  }
0x41: {  	_ =	shalt  }
0x42: {  	_ =	shalt  }
0x43: {  	_ =	shalt  }
0x44: {  	_ =	shalt  }
0x45: {  	_ =	shalt  }
0x46: {  	_ =	shalt  }
0x47: {  	_ =	shalt  }
0x48: {  	_ =	shalt  }
0x49: {  	_ =	shalt  }
0x4a: {  	_ =	shalt  }
0x4b: {  	_ =	shalt  }
0x4c: {  	_ =	shalt  }
0x4d: {  	_ =	shalt  }
0x4e: {  	_ =	shalt  }
0x4f: {  	_ =	shalt  }
0x50: {  	_ =	shalt  }
0x51: {  	_ =	shalt  }
0x52: {  	_ =	shalt  }
0x53: {  	_ =	shalt  }
0x54: {  	_ =	shalt  }
0x55: {  	_ =	shalt  }
0x56: {  	_ =	shalt  }
0x57: {  	_ =	shalt  }
0x58: {  	_ =	shalt  }
0x59: {  	_ =	shalt  }
0x5a: {  	_ =	shalt  }
0x5b: {  	_ =	shalt  }
0x5c: {  	_ =	shalt  }
0x5d: {  	_ =	shalt  }
0x5e: {  	_ =	shalt  }
0x5f: {  	_ =	shalt  }
0x60: {  	_ =	shalt  }
0x61: {  	_ =	shalt  }
0x62: {  	_ =	shalt  }
0x63: {  	_ =	shalt  }
0x64: {  	_ =	shalt  }
0x65: {  	_ =	shalt  }
0x66: {  	_ =	shalt  }
0x67: {  	_ =	shalt  }
0x68: {  	_ =	shalt  }
0x69: {  	_ =	shalt  }
0x6a: {  	_ =	shalt  }
0x6b: {  	_ =	shalt  }
0x6c: {  	_ =	shalt  }
0x6d: {  	_ =	shalt  }
0x6e: {  	_ =	shalt  }
0x6f: {  	_ =	shalt  }
0x70: {  	_ =	shalt  }
0x71: {  	_ =	shalt  }
0x72: {  	_ =	shalt  }
0x73: {  	_ =	shalt  }
0x74: {  	_ =	shalt  }
0x75: {  	_ =	shalt  }
0x76: {  	_ =	shalt  }
0x77: {  	_ =	shalt  }
0x78: {  	_ =	shalt  }
0x79: {  	_ =	shalt  }
0x7a: {  	_ =	shalt  }
0x7b: {  	_ =	shalt  }
0x7c: {  	_ =	shalt  }
0x7d: {  	_ =	shalt  }
0x7e: {  	_ =	shalt  }
0x7f: {  	_ =	shalt  }
0x80: {  	_ =	shalt  }
0x81: {  	_ =	shalt  }
0x82: {  	_ =	shalt  }
0x83: {  	_ =	shalt  }
0x84: {  	_ =	shalt  }
0x85: {  	_ =	shalt  }
0x86: {  	_ =	shalt  }
0x87: {  	_ =	shalt  }
.Lfunc_end0:
.L_simem_size_0:
called_computation_lowered:
.L_overlay_start_0:
0x88: {  	s2 =	sld [smem:$0x3FD9]  }
0x89: {  	s3 =	sld [smem:$0x3FFE];
	_ =	sdelay $0x1  }
0x8a: {  	s1 =	srdreg.scid  }
0x8b: {  	s0 =	sand.u32 $0x1, s1  }
0x8c: {  	s29 =	sshll.u32 s0, $0xA;
	s2 =	sadd.s32 s3, s2  }
0x8d: {  	s2 =	sadd.s32 s2, s29  }
0x8e: {  	[smem:$0x3FBA] =	sst s2  }
0x8f: {  	_ = 	snop  }
0x90: {  	s8 =	sld [smem:$0x3FD0]  }
0x91: {  	s30 =	sld [smem:$0x3FC8]  }
0x92: {  	s4 =	sld [smem:$0x3FC7]  }
0x93: {  	s9 =	simm.s32 $0xC;
	s10 =	simm.s32 $0x10;
	s2 =	sld [smem:$0x3FC2]  }
0x94: {  	[smem:s10], [sflag:s9] =	dma.local [hbm:s8], $0x1  }
0x95: {  	_ =	swait.eq [sflag:s9], $0x1  }
0x96: {  	s6 =	sld [smem:$0x11]  }
0x97: {  	s7 =	sld [smem:$0x12]  }
0x98: {  	s5 =	sld [smem:$0x13]  }
0x99: {  	s11 =	sld [smem:$0x15];
	[sflag:s9] =	ssyncset.done $0x0  }
0x9a: {  	s12 =	sld [smem:$0x16];
	[sflag:s9] =	ssyncadd.s32 $0xFFFFFFFF  }
0x9b: {  	s8 =	sadd.s32 $0x1, s8;
	s13 =	sld [smem:$0x17]  }
0x9c: {  	[smem:s10], [sflag:s9] =	dma.local [hbm:s8], $0x1  }
0x9d: {  	_ =	swait.eq [sflag:s9], $0x1  }
0x9e: {  	[sflag:s9] =	ssyncset.done $0x0  }
0x9f: {  	[sflag:s9] =	ssyncadd.s32 $0xFFFFFFFF  }
0xa0: {  	s31 =	sld [smem:$0x10];
	(tm) =	ssettm $0x1  }
0xa1: {  	s17 =	sld [smem:$0x3FFB];
	_ =	sdelay $0x3  }
0xa2: {  	_ =	strace s17  }
0xa3: {  	s9 =	sld [smem:$0x3FFC];
	_ =	sdelay $0x3  }
0xa4: {  	_ =	strace s9  }
0xa5: {  	s9 =	sld [smem:$0x3FFD];
	_ =	sdelay $0x3  }
0xa6: {  	_ =	strace s9  }
0xa7: {  	_ =	strace $0x8FFFFFFF  }
0xa8: {  	s18 =	sld [smem:$0x3FDB];
	_ =	sdelay $0x1  }
0xa9: {  	s19 =	simm.s32 $_scs_section_size  }
0xaa: {  	s14 =	simm.s32 $_size__tile_overlayer_lowered;
	s15 =	simm.s32 $_tile_overlayer_lowered  }
0xab: {  	s22 =	simm.s32 $0x1BFF;
	s21 =	sshll.u32 s15, $0x1;
	s9 =	sadd.s32 s19, s18  }
0xac: {  	s16 =	simm.s32 $0x0;
	s20 =	sshll.u32 s14, $0x1;
	s14 =	sadd.s32 s21, s9  }
0xad: {  	[timem:s16], [sflag:s22] =	dma.local [hbm:s14], s20  }
0xae: {  	_ =	swait.ge [sflag:s22], s20  }
0xaf: {  	s10 =	ssub.s32 $0x0, s20;
	[sflag:s22] =	ssyncset.done $0x0  }
0xb0: {  	[sflag:s22] =	ssyncadd.s32 s10;
	_ =	sdelay $0x1  }
0xb1: {  	s23 =	simm.s32 $0x1B8B  }
0xb2: {  	_ =	swait.ge [sflag:s23], $0x1  }
0xb3: {  	[sflag:s23] =	ssyncset.done $0x0  }
0xb4: {  	s25 =	simm.s32 $0x1B8E;
	s24 =	sld [smem:$0x3FFE];
	[sflag:s23] =	ssyncadd.s32 $0xFFFFFFFF  }
0xb5: {  	s26 =	simm.s32 $execute0_lowered;
	[smem:$0x3FD2] =	sst s25  }
0xb6: {  	s14 =	sshll.u32 s26, $0x1;
	_ =	strace $0x80000046;
	[dreg:$0x1] =	wrdreg $0xFFFFFFFF  }
0xb7: {  	s28 =	simm.s32 $_size_execute0_lowered;
	s9 =	sadd.s32 s9, s14;
	[dreg:$0x0] =	wrdreg $0x0  }
0xb8: {  	s14 =	sshll.u32 s28, $0x1;
	[dreg:$0x2] =	wrdreg s9  }
0xb9: {  	[dreg:$0x3] =	wrdreg s14  }
0xba: {  	[dreg:$0x4] =	wrdreg $0xC0  }
0xbb: {  	_ =	task [dreg:s16], $0x5FFFF  }
0xbc: {  	[dreg:$0x1] =	wrdreg $0xFFFFFFFF  }
0xbd: {  	[dreg:$0x0] =	wrdreg $0x60  }
0xbe: {  	[dreg:$0x2] =	wrdreg s24  }
0xbf: {  	[dreg:$0x3] =	wrdreg s13  }
0xc0: {  	[dreg:$0x4] =	wrdreg s11  }
0xc1: {  	[dreg:$0x5] =	wrdreg s12  }
0xc2: {  	[dreg:$0x6] =	wrdreg s30  }
0xc3: {  	[dreg:$0x7] =	wrdreg s4  }
0xc4: {  	[dreg:$0x8] =	wrdreg s6  }
0xc5: {  	[dreg:$0x9] =	wrdreg s7  }
0xc6: {  	[dreg:$0xa] =	wrdreg s31  }
0xc7: {  	[dreg:$0xb] =	wrdreg s2  }
0xc8: {  	[dreg:$0xc] =	wrdreg s5  }
0xc9: {  	[dreg:$0xd] =	wrdreg $0x9  }
0xca: {  	_ =	task.clear_ibuf [dreg:s16], $0xEFFFF;
	_ =	strace $0x90000046  }
0xcb: {  	s29 =	simm.s32 $0x9;
	_ =	strace $0x80000048  }
0xcc: {  	_ =	swait.ge [sflag:s29], $0x1  }
0xcd: {  	[sflag:s29] =	ssyncadd.s32 $0xFFFFFFFF  }
0xce: {  	_ =	strace $0x90000048  }
0xcf: {  	_ =	sfence  }
0xd0: {  	s30 =	sld [smem:$0x0];
	_ =	sdelay $0x2  }
0xd1: {  	s31 =	sshll.u32 s1, $0xD;
	s1 =	sshrl.u32 s1, $0x2  }
0xd2: {  	s3 =	sand.u32 $0x4000, s31;
	s1 =	sadd.s32 s1, s30  }
0xd3: {  	s0 =	sor.u32 s3, s0;
	s1 =	sshll.u32 s1, $0x11  }
0xd4: {  	s0 =	sor.u32 s1, s0  }
0xd5: {  	s0 =	sadd.s32 $0x8F2B, s0  }
0xd6: {  	[sflag:s0] =	ssyncadd.remote.s32 $0x1  }
0xd7: {  	_ =	sfence.sel $0xFFFF  }
0xd8: {  	[dreg:$0x0] =	wrdreg $0xFFFFFFFF;
	(pc) =	sbr.abs _section_cstart, $3  }
0xd9: {  	[dreg:$0x1] =	wrdreg $0xFFFFFFFF  }
0xda: {  	_ =	task.clear_ibuf [dreg:s16], $0x2FFFF;
	_ =	strace $0x9FFFFFFF  }
0xdb: {  	(tm) =	ssettm $0x7FFFFFFF  }
tec
execute0_lowered:
.L_overlay_start_1:
0x0: {  	(tag) =	ssettag $0x1  }
0x1: {  	s0 =	rddreg [dreg:$0x0]  }
0x2: {  	s1 =	rddreg [dreg:$0x4]  }
0x3: {  	s2 =	rddreg [dreg:$0x5]  }
0x4: {  	s3 =	rddreg [dreg:$0x6]  }
0x5: {  	s4 =	rddreg [dreg:$0x7]  }
0x6: {  	s14 =	rddreg [dreg:$0x8]  }
0x7: {  	s11 =	rddreg [dreg:$0x9]  }
0x8: {  	s15 =	rddreg [dreg:$0xa]  }
0x9: {  	s5 =	simm.s32 $0x0;
	s6 =	srdreg.scid;
	s8 =	stileid.u32  }
0xa: {  	s22 =	simm.s32 $0xC800;
	s23 =	simm.s32 $0x2780;
	s24 =	simm.s32 $0x4F00  }
0xb: {  	s28 =	simm.s32 $0x7780;
	s29 =	simm.s32 $0x1;
	s30 =	simm.s32 $0xD800  }
0xc: {  	s31 =	simm.s32 $0x2;
	[smem:$0x7FF] =	sst s5;
	s7 =	sand.u32 $0x1, s6  }
0xd: {  	s25 =	sshll.u32 s8, $0x1;
	s6 =	sadd.s32 $0xC00, s0;
	_ =	strace $0x80000047  }
0xe: {  	s8 =	sor.u32 s7, s25;
	s9 =	ssub.s32 $0x2, s7;
	s7 =	sadd.s32 $0x600, s0  }
0xf: {  	s25 =	simm.s32 $0x7680;
	s16 =	smul.u32 $0x1F4, s8;
	s26 =	sshrl.u32 s9, $0x1  }
0x10: {  	s8 =	sadd.s32 $0x1200, s0;
	s0 =	ssub.s32 s9, s26;
	s26 =	simm.s32 $0x7700  }
0x11: {  	s9 =	sadd.s32 s1, s16;
	s10 =	sadd.s32 s2, s16;
	s11 =	sadd.s32 s11, s16  }
0x12: {  	s12 =	sadd.s32 s3, s16;
	s13 =	sadd.s32 s4, s16;
	s14 =	sadd.s32 s14, s16  }
0x13: {  	s15 =	sadd.s32 s15, s16;
	s16 =	smax.u32 s0, $0x1;
	s3 =	simm.s32 $0x0  }
.LBB2_1:
0x14: {  	s0 =	simm.s32 $0x7800  }
0x15: {  	[tilespmem:s0], [sflag:$0x1] =	stream.linear.gather [hbm4b:s9+s5], $0xFA0, $0x38;
	[tilespmem:$0xE800] =	vst v63  }
0x16: {  	s2 =	simm.s32 $0x8800  }
0x17: {  	[tilespmem:s2], [sflag:$0x1] =	stream.linear.gather [hbm4b:s10+s5], $0xFA0, $0x38;
	[tilespmem:$0xE800] =	vst v63  }
0x18: {  	s4 =	simm.s32 $0x9800  }
0x19: {  	[tilespmem:s4], [sflag:$0x1] =	stream.linear.gather [hbm4b:s11+s5], $0xFA0, $0x38;
	[tilespmem:$0xE800] =	vst v63  }
0x1a: {  	s17 =	simm.s32 $0xA800  }
0x1b: {  	[tilespmem:s17], [sflag:$0x1] =	stream.linear.gather [hbm4b:s12+s5], $0xFA0, $0x38;
	[tilespmem:$0xE800] =	vst v63  }
0x1c: {  	s18 =	simm.s32 $0xB800  }
0x1d: {  	[tilespmem:s18], [sflag:$0x1] =	stream.linear.gather [hbm4b:s13+s5], $0xFA0, $0x38;
	[tilespmem:$0xE800] =	vst v63  }
0x1e: {  	_ = 	snop  }
0x1f: {  	[tilespmem:s22], [sflag:$0x1] =	stream.linear.gather [hbm4b:s14+s5], $0xFA0, $0x38;
	[tilespmem:$0xE800] =	vst v63  }
0x20: {  	_ = 	snop  }
0x21: {  	[tilespmem:s5], [sflag:$0x1] =	stream.linear.gather [hbm4b:s6+s5], $0x2780, $0x38;
	[tilespmem:$0xE800] =	vst v63  }
0x22: {  	_ = 	snop  }
0x23: {  	[tilespmem:s23], [sflag:$0x1] =	stream.linear.gather [hbm4b:s7+s5], $0x2780, $0x38;
	[tilespmem:$0xE800] =	vst v63  }
0x24: {  	s19 =	rddreg [dreg:$0x1]  }
0x25: {  	[tilespmem:s24], [sflag:$0x1] =	stream.linear.gather [hbm4b:s19+s5], $0x2780, $0x38;
	[tilespmem:$0xE800] =	vst v63  }
0x26: {  	_ = 	snop  }
0x27: {  	[tilespmem:s25], [sflag:$0x1] =	stream.linear.gather [hbm4b:s8+s5], $0x80, $0x38;
	[tilespmem:$0xE800] =	vst v63  }
0x28: {  	s20 =	rddreg [dreg:$0x2]  }
0x29: {  	[tilespmem:s26], [sflag:$0x1] =	stream.linear.gather [hbm4b:s20+s5], $0x80, $0x38;
	[tilespmem:$0xE800] =	vst v63  }
0x2a: {  	s21 =	rddreg [dreg:$0x3]  }
0x2b: {  	[tilespmem:s28], [sflag:$0x1] =	stream.linear.gather [hbm4b:s21+s5], $0x80, $0x38;
	[tilespmem:$0xE800] =	vst v63  }
0x2c: {  	_ =	swait.ge [sflag:s29], $0xFA0  }
0x2d: {  	[sflag:s29] =	ssyncset.done $0x0  }
0x2e: {  	[sflag:s29] =	ssyncadd.s32 $0xFFFFF060  }
0x2f: {  	_ =	swait.ge [sflag:s29], $0xFA0  }
0x30: {  	[sflag:s29] =	ssyncset.done $0x0  }
0x31: {  	[sflag:s29] =	ssyncadd.s32 $0xFFFFF060  }
0x32: {  	_ =	swait.ge [sflag:s29], $0xFA0  }
0x33: {  	[sflag:s29] =	ssyncset.done $0x0  }
0x34: {  	[sflag:s29] =	ssyncadd.s32 $0xFFFFF060  }
0x35: {  	_ =	swait.ge [sflag:s29], $0xFA0  }
0x36: {  	[sflag:s29] =	ssyncset.done $0x0  }
0x37: {  	[sflag:s29] =	ssyncadd.s32 $0xFFFFF060  }
0x38: {  	_ =	swait.ge [sflag:s29], $0xFA0  }
0x39: {  	[sflag:s29] =	ssyncset.done $0x0  }
0x3a: {  	[sflag:s29] =	ssyncadd.s32 $0xFFFFF060  }
0x3b: {  	_ =	swait.ge [sflag:s29], $0xFA0  }
0x3c: {  	[sflag:s29] =	ssyncset.done $0x0  }
0x3d: {  	[sflag:s29] =	ssyncadd.s32 $0xFFFFF060  }
0x3e: {  	_ =	swait.ge [sflag:s29], $0x2780  }
0x3f: {  	[sflag:s29] =	ssyncset.done $0x0  }
0x40: {  	[sflag:s29] =	ssyncadd.s32 $0xFFFFD880  }
0x41: {  	_ =	swait.ge [sflag:s29], $0x2780  }
0x42: {  	[sflag:s29] =	ssyncset.done $0x0  }
0x43: {  	[sflag:s29] =	ssyncadd.s32 $0xFFFFD880  }
0x44: {  	_ =	swait.ge [sflag:s29], $0x2780  }
0x45: {  	[sflag:s29] =	ssyncset.done $0x0  }
0x46: {  	[sflag:s29] =	ssyncadd.s32 $0xFFFFD880  }
0x47: {  	_ =	swait.ge [sflag:s29], $0x80  }
0x48: {  	[sflag:s29] =	ssyncset.done $0x0  }
0x49: {  	[sflag:s29] =	ssyncadd.s32 $0xFFFFFF80  }
0x4a: {  	_ =	swait.ge [sflag:s29], $0x80  }
0x4b: {  	[sflag:s29] =	ssyncset.done $0x0  }
0x4c: {  	[sflag:s29] =	ssyncadd.s32 $0xFFFFFF80  }
0x4d: {  	_ =	swait.ge [sflag:s29], $0x80  }
0x4e: {  	[sflag:s29] =	ssyncset.done $0x0  }
0x4f: {  	s18 =	simm.s32 $0x7820;
	[sflag:s29] =	ssyncadd.s32 $0xFFFFFF80  }
0x50: {  	v0 =	vld [tilespmem:s18+$0x10]  }
0x51: {  	v1 =	vld [tilespmem:s18+$0xFFFFFFF0]  }
0x52: {  	s4 =	simm.s32 $0x8820;
	v3 =	vld [tilespmem:s18+$0x0]  }
0x53: {  	v2 =	vld [tilespmem:s4+$0x10]  }
0x54: {  	s0 =	simm.s32 $0x9820;
	v4 =	vld [tilespmem:s4+$0xFFFFFFE0]  }
0x55: {  	s1 =	simm.s32 $0xA820;
	v5 =	vld [tilespmem:s0+$0x10]  }
0x56: {  	s2 =	simm.s32 $0xB820;
	v6 =	vld [tilespmem:s1+$0x10]  }
0x57: {  	s17 =	simm.s32 $0xC820;
	v7 =	vld [tilespmem:s2+$0x10]  }
0x58: {  	v14 =	vld [tilespmem:s17+$0x10]  }
0x59: {  	v15 =	vld [tilespmem:s0+$0xFFFFFFE0]  }
0x5a: {  	v16 =	vld [tilespmem:s4+$0xFFFFFFF0]  }
0x5b: {  	v17 =	vld [tilespmem:s0+$0xFFFFFFF0]  }
0x5c: {  	v18 =	vld [tilespmem:s4+$0x0]  }
0x5d: {  	v19 =	vld [tilespmem:s0+$0x0]  }
0x5e: {  	v20 =	vld [tilespmem:s18+$0xFFFFFFE0]  }
0x5f: {  	v8 =	vld.idx.msk [tilespmem:v0+s24+$0x0], $0xffff  }
0x60: {  	v9 =	vld.idx.msk [tilespmem:v0+s5+$0x0], $0xffff  }
0x61: {  	v0 =	vld.idx.msk [tilespmem:v0+s23+$0x0], $0xffff  }
0x62: {  	v10 =	vld.idx.msk [tilespmem:v2+s5+$0x0], $0xffff  }
0x63: {  	v11 =	vld.idx.msk [tilespmem:v2+s23+$0x0], $0xffff  }
0x64: {  	v12 =	vld.idx.msk [tilespmem:v5+s25+$0x0], $0xffff  }
0x65: {  	v13 =	vld.idx.msk [tilespmem:v5+s26+$0x0], $0xffff  }
0x66: {  	v2 =	vld.idx.msk [tilespmem:v2+s24+$0x0], $0xffff  }
0x67: {  	v5 =	vld.idx.msk [tilespmem:v5+s28+$0x0], $0xffff  }
0x68: {  	v21 =	vld.idx.msk [tilespmem:v4+s5+$0x0], $0xffff  }
0x69: {  	v22 =	vld.idx.msk [tilespmem:v4+s23+$0x0], $0xffff  }
0x6a: {  	v23 =	vld.idx.msk [tilespmem:v15+s25+$0x0], $0xffff  }
0x6b: {  	v24 =	vld.idx.msk [tilespmem:v15+s26+$0x0], $0xffff  }
0x6c: {  	v25 =	vld.idx.msk [tilespmem:v1+s5+$0x0], $0xffff  }
0x6d: {  	v26 =	vld.idx.msk [tilespmem:v1+s23+$0x0], $0xffff  }
0x6e: {  	v27 =	vld.idx.msk [tilespmem:v16+s5+$0x0], $0xffff  }
0x6f: {  	v28 =	vld.idx.msk [tilespmem:v20+s5+$0x0], $0xffff  }
0x70: {  	v29 =	vld.idx.msk [tilespmem:v20+s23+$0x0], $0xffff  }
0x71: {  	v30 =	vld.idx.msk [tilespmem:v16+s23+$0x0], $0xffff  }
0x72: {  	v31 =	vld.idx.msk [tilespmem:v17+s25+$0x0], $0xffff  }
0x73: {  	v32 =	vld.idx.msk [tilespmem:v17+s26+$0x0], $0xffff  }
0x74: {  	v33 =	vld.idx.msk [tilespmem:v3+s5+$0x0], $0xffff  }
0x75: {  	v34 =	vld.idx.msk [tilespmem:v3+s23+$0x0], $0xffff  }
0x76: {  	v35 =	vld.idx.msk [tilespmem:v18+s5+$0x0], $0xffff  }
0x77: {  	v20 =	vld.idx.msk [tilespmem:v20+s24+$0x0], $0xffff  }
0x78: {  	v9 =	vadd.f32 v10, v9;
	v10 =	vld.idx.msk [tilespmem:v18+s23+$0x0], $0xffff  }
0x79: {  	v0 =	vadd.f32 v11, v0;
	v11 =	vld.idx.msk [tilespmem:v19+s25+$0x0], $0xffff  }
0x7a: {  	v6 =	vmul.f32 v6, v12;
	v7 =	vmul.f32 v7, v13;
	v2 =	vadd.f32 v2, v8;
	v8 =	vld.idx.msk [tilespmem:v19+s26+$0x0], $0xffff  }
0x7b: {  	v12 =	vld [tilespmem:s2+$0xFFFFFFF0]  }
0x7c: {  	v5 =	vmul.f32 v14, v5;
	v13 =	vld [tilespmem:s2+$0x0];
	v6 =	vadd.f32 v6, v9;
	v0 =	vadd.f32 v7, v0  }
0x7d: {  	v7 =	vld [tilespmem:s1+$0xFFFFFFE0]  }
0x7e: {  	v9 =	vld [tilespmem:s2+$0xFFFFFFE0];
	v2 =	vadd.f32 v5, v2;
	v5 =	vmul.f32 v6, v6;
	v0 =	vmul.f32 v0, v0  }
0x7f: {  	v6 =	vld [tilespmem:s1+$0xFFFFFFF0]  }
0x80: {  	v21 =	vadd.f32 v21, v28;
	v0 =	vadd.f32 v0, v5;
	v5 =	vld [tilespmem:s1+$0x0]  }
0x81: {  	v4 =	vld.idx.msk [tilespmem:v4+s24+$0x0], $0xffff;
	v22 =	vadd.f32 v22, v29;
	v63 =	vadd.f32 v30, v26;
	v2 =	vmul.f32 v2, v2  }
0x82: {  	v1 =	vld.idx.msk [tilespmem:v1+s24+$0x0], $0xffff;
	v10 =	vadd.f32 v10, v34;
	v12 =	vmul.f32 v12, v32;
	v7 =	vmul.f32 v7, v23  }
0x83: {  	v16 =	vld.idx.msk [tilespmem:v16+s24+$0x0], $0xffff;
	v8 =	vmul.f32 v13, v8;
	v9 =	vmul.f32 v9, v24;
	v14 =	vadd.f32 v2, v0  }
0x84: {  	v0 =	vadd.f32 v27, v25;
	v2 =	vld.idx.msk [tilespmem:v15+s28+$0x0], $0xffff;
	v7 =	vadd.f32 v7, v21;
	v6 =	vmul.f32 v6, v31  }
0x85: {  	v15 =	vadd.f32 v35, v33;
	v9 =	vadd.f32 v9, v22;
	v11 =	vmul.f32 v5, v11;
	v5 =	vld.idx.msk [tilespmem:v17+s28+$0x0], $0xffff  }
0x86: {  	v13 =	vmul.f32 v7, v7;
	v6 =	vadd.f32 v6, v0;
	v7 =	vadd.f32 v12, v63;
	v0 =	vld.idx.msk [tilespmem:v3+s24+$0x0], $0xffff  }
0x87: {  	v8 =	vadd.f32 v8, v10;
	v3 =	vmul.f32 v9, v9;
	v9 =	vld.idx.msk [tilespmem:v18+s24+$0x0], $0xffff;
	v11 =	vadd.f32 v11, v15  }
0x88: {  	v10 =	vadd.f32 $9.999999960e-13, v14;
	v6 =	vmul.f32 v6, v6;
	v12 =	vmul.f32 v7, v7;
	v7 =	vld.idx.msk [tilespmem:v19+s28+$0x0], $0xffff  }
0x89: {  	v14 =	vmul.f32 v8, v8;
	v3 =	vadd.f32 v3, v13;
	v13 =	vmul.f32 v11, v11;
	v11 =	vld [tilespmem:s17+$0xFFFFFFE0]  }
0x8a: {  	s19 =	simm.s32 $0xD820;
	v8 =	vadd.f32 v4, v20;
	v4 =	vadd.f32 v12, v6;
	v12 =	vld [tilespmem:s17+$0xFFFFFFF0]  }
0x8b: {  	s20 =	simm.s32 $0x0;
	s21 =	simm.s32 $0x7860;
	s18 =	simm.s32 $0x3E00;
	[tilespmem:s19+$0x10] =	vst v10;
	v10 =	vadd.f32 v16, v1;
	v6 =	vadd.f32 v14, v13;
	v13 =	vld [tilespmem:s17+$0x0]  }
.LBB2_2:
0x8c: {  	v14 =	vld [tilespmem:s21+$0x10]  }
0x8d: {  	v9 =	vadd.f32 v9, v0;
	v1 =	vld [tilespmem:s21+$0xFFFFFFF0]  }
0x8e: {  	s4 =	sadd.s32 $0x40, s4;
	v0 =	vld [tilespmem:s21+$0x0];
	v11 =	vmul.f32 v11, v2  }
0x8f: {  	v15 =	vld [tilespmem:s4+$0x10];
	v5 =	vmul.f32 v12, v5  }
0x90: {  	s0 =	sadd.s32 $0x40, s0;
	v2 =	vld [tilespmem:s4+$0xFFFFFFE0];
	v8 =	vadd.f32 v11, v8;
	v7 =	vmul.f32 v13, v7  }
0x91: {  	s1 =	sadd.s32 $0x40, s1;
	v11 =	vld [tilespmem:s0+$0x10];
	v5 =	vadd.f32 v5, v10  }
0x92: {  	s20 =	sadd.s32 $0x4, s20;
	s2 =	sadd.s32 $0x40, s2;
	v10 =	vld [tilespmem:s1+$0x10];
	v8 =	vmul.f32 v8, v8;
	v7 =	vadd.f32 v7, v9  }
0x93: {  	p0 =	slt.u32 s20, $0xF4;
	v9 =	vld [tilespmem:s2+$0x10];
	v5 =	vmul.f32 v5, v5  }
0x94: {  	v12 =	vld.idx.msk [tilespmem:v14+s24+$0x0], $0xffff;
	v3 =	vadd.f32 v8, v3;
	v7 =	vmul.f32 v7, v7  }
0x95: {  	v8 =	vld.idx.msk [tilespmem:v14+s5+$0x0], $0xffff;
	v4 =	vadd.f32 v5, v4  }
0x96: {  	v5 =	vld.idx.msk [tilespmem:v14+s23+$0x0], $0xffff;
	v3 =	vadd.f32 $9.999999960e-13, v3;
	v6 =	vadd.f32 v7, v6  }
0x97: {  	v7 =	vld.idx.msk [tilespmem:v15+s5+$0x0], $0xffff;
	v4 =	vadd.f32 $9.999999960e-13, v4  }
0x98: {  	v13 =	vld.idx.msk [tilespmem:v15+s23+$0x0], $0xffff;
	[tilespmem:s19+$0xFFFFFFE0] =	vst v3;
	v3 =	vadd.f32 $9.999999960e-13, v6  }
0x99: {  	v6 =	vld.idx.msk [tilespmem:v11+s25+$0x0], $0xffff;
	[tilespmem:s19+$0xFFFFFFF0] =	vst v4  }
0x9a: {  	v4 =	vld.idx.msk [tilespmem:v11+s26+$0x0], $0xffff;
	[tilespmem:s19+$0x0] =	vst v3  }
0x9b: {  	v3 =	vld.idx.msk [tilespmem:v15+s24+$0x0], $0xffff  }
0x9c: {  	s17 =	sadd.s32 $0x40, s17;
	v11 =	vld.idx.msk [tilespmem:v11+s28+$0x0], $0xffff  }
0x9d: {  	v14 =	vld [tilespmem:s17+$0x10]  }
0x9e: {  	v15 =	vld [tilespmem:s0+$0xFFFFFFE0]  }
0x9f: {  	v7 =	vadd.f32 v7, v8;
	v16 =	vld [tilespmem:s4+$0xFFFFFFF0]  }
0xa0: {  	v5 =	vadd.f32 v13, v5;
	v6 =	vmul.f32 v10, v6;
	v4 =	vmul.f32 v9, v4;
	v8 =	vld [tilespmem:s0+$0xFFFFFFF0]  }
0xa1: {  	v3 =	vadd.f32 v3, v12;
	v9 =	vld [tilespmem:s4+$0x0]  }
0xa2: {  	v6 =	vadd.f32 v6, v7;
	v4 =	vadd.f32 v4, v5;
	v10 =	vld [tilespmem:s0+$0x0];
	v5 =	vmul.f32 v14, v11  }
0xa3: {  	v7 =	vld [tilespmem:s21+$0xFFFFFFE0]  }
0xa4: {  	v4 =	vmul.f32 v4, v4;
	v11 =	vld.idx.msk [tilespmem:v2+s5+$0x0], $0xffff;
	v3 =	vadd.f32 v5, v3;
	v5 =	vmul.f32 v6, v6  }
0xa5: {  	v6 =	vld.idx.msk [tilespmem:v2+s23+$0x0], $0xffff  }
0xa6: {  	v12 =	vld.idx.msk [tilespmem:v15+s25+$0x0], $0xffff;
	v4 =	vadd.f32 v4, v5;
	v3 =	vmul.f32 v3, v3  }
0xa7: {  	v5 =	vld.idx.msk [tilespmem:v15+s26+$0x0], $0xffff  }
0xa8: {  	v13 =	vld.idx.msk [tilespmem:v1+s5+$0x0], $0xffff;
	v3 =	vadd.f32 v3, v4  }
0xa9: {  	v4 =	vld.idx.msk [tilespmem:v1+s23+$0x0], $0xffff  }
0xaa: {  	v14 =	vld.idx.msk [tilespmem:v16+s5+$0x0], $0xffff;
	v3 =	vadd.f32 $9.999999960e-13, v3  }
0xab: {  	s19 =	sadd.s32 $0x40, s19;
	v17 =	vld.idx.msk [tilespmem:v7+s5+$0x0], $0xffff  }
0xac: {  	v18 =	vld.idx.msk [tilespmem:v7+s23+$0x0], $0xffff;
	[tilespmem:s19+$0x10] =	vst v3  }
0xad: {  	v3 =	vld.idx.msk [tilespmem:v16+s23+$0x0], $0xffff  }
0xae: {  	v19 =	vld.idx.msk [tilespmem:v8+s25+$0x0], $0xffff  }
0xaf: {  	v20 =	vld.idx.msk [tilespmem:v8+s26+$0x0], $0xffff  }
0xb0: {  	v13 =	vadd.f32 v14, v13;
	v14 =	vld.idx.msk [tilespmem:v0+s5+$0x0], $0xffff  }
0xb1: {  	v11 =	vadd.f32 v11, v17;
	v17 =	vld.idx.msk [tilespmem:v0+s23+$0x0], $0xffff  }
0xb2: {  	v6 =	vadd.f32 v6, v18;
	v18 =	vld.idx.msk [tilespmem:v9+s5+$0x0], $0xffff  }
0xb3: {  	v3 =	vadd.f32 v3, v4;
	v4 =	vld.idx.msk [tilespmem:v9+s23+$0x0], $0xffff  }
0xb4: {  	v21 =	vld.idx.msk [tilespmem:v10+s25+$0x0], $0xffff  }
0xb5: {  	v22 =	vld.idx.msk [tilespmem:v10+s26+$0x0], $0xffff  }
0xb6: {  	v23 =	vld [tilespmem:s1+$0xFFFFFFE0]  }
0xb7: {  	v24 =	vld [tilespmem:s2+$0xFFFFFFE0]  }
0xb8: {  	v14 =	vadd.f32 v18, v14;
	v25 =	vld [tilespmem:s1+$0xFFFFFFF0]  }
0xb9: {  	v4 =	vadd.f32 v4, v17;
	v18 =	vld [tilespmem:s2+$0xFFFFFFF0]  }
0xba: {  	v17 =	vld [tilespmem:s1+$0x0]  }
0xbb: {  	v12 =	vmul.f32 v23, v12;
	v23 =	vld [tilespmem:s2+$0x0]  }
0xbc: {  	v7 =	vld.idx.msk [tilespmem:v7+s24+$0x0], $0xffff;
	v5 =	vmul.f32 v24, v5  }
0xbd: {  	v24 =	vld.idx.msk [tilespmem:v2+s24+$0x0], $0xffff;
	v11 =	vadd.f32 v12, v11;
	v12 =	vmul.f32 v25, v19  }
0xbe: {  	v2 =	vld.idx.msk [tilespmem:v15+s28+$0x0], $0xffff;
	v5 =	vadd.f32 v5, v6;
	v6 =	vmul.f32 v18, v20  }
0xbf: {  	v11 =	vmul.f32 v11, v11;
	v1 =	vld.idx.msk [tilespmem:v1+s24+$0x0], $0xffff;
	v12 =	vadd.f32 v12, v13;
	v13 =	vmul.f32 v17, v21  }
0xc0: {  	v15 =	vmul.f32 v5, v5;
	v16 =	vld.idx.msk [tilespmem:v16+s24+$0x0], $0xffff;
	v6 =	vadd.f32 v6, v3;
	v17 =	vmul.f32 v23, v22  }
0xc1: {  	v5 =	vld.idx.msk [tilespmem:v8+s28+$0x0], $0xffff;
	v12 =	vmul.f32 v12, v12;
	v13 =	vadd.f32 v13, v14  }
0xc2: {  	v3 =	vadd.f32 v15, v11;
	v6 =	vmul.f32 v6, v6;
	v0 =	vld.idx.msk [tilespmem:v0+s24+$0x0], $0xffff;
	v11 =	vadd.f32 v17, v4  }
.Ltmp0:
0xc3: {  	v8 =	vadd.f32 v24, v7;
	v9 =	vld.idx.msk [tilespmem:v9+s24+$0x0], $0xffff;
	v13 =	vmul.f32 v13, v13;
	(pc) =	sbr.rel @p0 .LBB2_2-.Ltmp0, $4  }
0xc4: {  	v4 =	vadd.f32 v6, v12;
	v7 =	vld.idx.msk [tilespmem:v10+s28+$0x0], $0xffff;
	v6 =	vmul.f32 v11, v11  }
0xc5: {  	v11 =	vld [tilespmem:s17+$0xFFFFFFE0]  }
0xc6: {  	v10 =	vadd.f32 v16, v1;
	v12 =	vld [tilespmem:s17+$0xFFFFFFF0];
	v6 =	vadd.f32 v6, v13  }
0xc7: {  	s21 =	sadd.s32 $0x40, s21;
	v13 =	vld [tilespmem:s17+$0x0]  }
0xc8: {  	_ =	sdelay $0x1  }
0xc9: {  	v1 =	vmul.f32 v11, v2  }
0xca: {  	v62 =	vmul.f32 v12, v5  }
0xcb: {  	v0 =	vadd.f32 v9, v0;
	v1 =	vadd.f32 v1, v8;
	v63 =	vmul.f32 v13, v7  }
0xcc: {  	v2 =	vadd.f32 v62, v10  }
0xcd: {  	v1 =	vmul.f32 v1, v1;
	v0 =	vadd.f32 v63, v0  }
0xce: {  	v2 =	vmul.f32 v2, v2  }
0xcf: {  	v1 =	vadd.f32 v1, v3;
	v0 =	vmul.f32 v0, v0  }
0xd0: {  	v2 =	vadd.f32 v2, v4  }
0xd1: {  	v1 =	vadd.f32 $9.999999960e-13, v1;
	v0 =	vadd.f32 v0, v6  }
0xd2: {  	v2 =	vadd.f32 $9.999999960e-13, v2  }
0xd3: {  	[tilespmem:s19+$0xFFFFFFE0] =	vst v1;
	v0 =	vadd.f32 $9.999999960e-13, v0  }
0xd4: {  	[tilespmem:s19+$0xFFFFFFF0] =	vst v2  }
0xd5: {  	[tilespmem:s19+$0x0] =	vst v0  }
.LBB2_4:
0xd6: {  	s0 =	sshra.s32 s18, $0x2  }
0xd7: {  	v0 =	vld [tilespmem:s0+$0x7800];
	_ =	sdelay $0x2  }
0xd8: {  	v1 =	vld [tilespmem:s0+$0x8800]  }
0xd9: {  	v2 =	vld [tilespmem:s0+$0x9800]  }
0xda: {  	v9 =	vld [tilespmem:s0+$0xA800]  }
0xdb: {  	v10 =	vld [tilespmem:s0+$0xB800]  }
0xdc: {  	v11 =	vld [tilespmem:s0+$0xC800]  }
0xdd: {  	v3 =	vld.idx.msk [tilespmem:v0+s5+$0x0], $0xffff  }
0xde: {  	v4 =	vld.idx.msk [tilespmem:v0+s23+$0x0], $0xffff  }
0xdf: {  	v0 =	vld.idx.msk [tilespmem:v0+s24+$0x0], $0xffff  }
0xe0: {  	v5 =	vld.idx.msk [tilespmem:v1+s5+$0x0], $0xffff  }
0xe1: {  	v6 =	vld.idx.msk [tilespmem:v1+s23+$0x0], $0xffff  }
0xe2: {  	v7 =	vld.idx.msk [tilespmem:v2+s25+$0x0], $0xffff  }
0xe3: {  	v8 =	vld.idx.msk [tilespmem:v2+s26+$0x0], $0xffff  }
0xe4: {  	v1 =	vld.idx.msk [tilespmem:v1+s24+$0x0], $0xffff  }
0xe5: {  	v2 =	vld.idx.msk [tilespmem:v2+s28+$0x0], $0xffff;
	_ =	sdelay $0x1  }
0xe6: {  	v3 =	vadd.f32 v5, v3  }
0xe7: {  	v59 =	vmul.f32 v9, v7;
	v4 =	vadd.f32 v6, v4;
	v60 =	vmul.f32 v10, v8  }
0xe8: {  	v0 =	vadd.f32 v1, v0  }
0xe9: {  	v61 =	vmul.f32 v11, v2;
	v3 =	vadd.f32 v59, v3;
	v4 =	vadd.f32 v60, v4;
	_ =	sdelay $0x1  }
0xea: {  	v0 =	vadd.f32 v61, v0;
	v62 =	vmul.f32 v3, v3;
	v63 =	vmul.f32 v4, v4;
	_ =	sdelay $0x1  }
0xeb: {  	v0 =	vmul.f32 v0, v0;
	v1 =	vadd.f32 v63, v62  }
0xec: {  	p0 =	sne.s32 s18, $0x3E40  }
.Ltmp1:
0xed: {  	v0 =	vadd.f32 v0, v1;
	(pc) =	sbr.rel @p0 .LBB2_4-.Ltmp1, $3  }
0xee: {  	_ = 	snop  }
0xef: {  	v0 =	vadd.f32 $9.999999960e-13, v0;
	_ =	sdelay $0x1  }
0xf0: {  	s18 =	sadd.s32 $0x40, s18;
	[tilespmem:s0+$0xD800] =	vst v0  }
0xf1: {  	s3 =	sadd.s32 $0x1, s3  }
0xf2: {  	p0 =	sne.s32 s3, s16  }
.Ltmp2:
0xf3: {  	_ = 	snop;
	(pc) =	sbr.rel @p0 .LBB2_1-.Ltmp2, $4  }
0xf4: {  	[hbm4b:s15+s5] =	stream.linear.scatter [tilespmem:s30], [sflag:$0x2], $0xFA0, $0x38;
	[tilespmem:$0xE800] =	vst v63  }
0xf5: {  	_ =	swait.ge [sflag:s31], $0xFA0  }
0xf6: {  	[sflag:s31] =	ssyncset.done $0x0  }
0xf7: {  	[sflag:s31] =	ssyncadd.s32 $0xFFFFF060  }
0xf8: {  	_ =	sfence.sel $0x180000  }
0xf9: {  	[bflag:$0x0] =	sbarrier.arrive $0xFFFF  }
0xfa: {  	_ =	strace $0x90000047  }
0xfb: {  	s0 =	stileid.u32;
	[bflag:$0x2] =	sbarrier.arrive $0xFFFF  }
0xfc: {  	p0 =	sne.s32 s0, $0x0;
	s0 =	rddreg [dreg:$0xb]  }
0xfd: {  	s0 =	sadd.s32 @!p0 $0x100000, s0  }
0xfe: {  	[sflag:s0] =	ssyncadd.tile.s32 @!p0 $0x1;
	_ =	shalt  }
.Lfunc_end2:
_tile_overlayer_lowered:
.L_overlay_start_2:
0xff: {  	(tag) =	ssettag $0x2  }
0x100: {  	s0 =	rddreg [dreg:$0x0];
	s2 =	stileid.u32  }
0x101: {  	s1 =	rddreg [dreg:$0x1];
	p0 =	sne.s32 s2, $0x0  }
0x102: {  	s3 =	rddreg [dreg:$0x2];
	[bflag:$0x3] =	sbarrier.arrive $0xFFFF;
	s2 =	simm.s32 @!p0 $0x1C03  }
0x103: {  	[timem:s3], [sflag:s2] =	dma.local @!p0 [hbm:s0], s1  }
0x104: {  	s0 =	simm.s32 @!p0 $0x3  }
0x105: {  	_ =	swait.ge @!p0 [sflag:s0], s1  }
0x106: {  	s1 =	ssub.s32 @!p0 $0x0, s1;
	[sflag:s0] =	ssyncset.done @!p0 $0x0  }
0x107: {  	[sflag:s0] =	ssyncadd.s32 @!p0 s1  }
0x108: {  	[bflag:$0x3] =	sbarrier.arrive $0xFFFF  }
0x109: {  	_ =	shalt  }

</sc_bundles>
